<compile_context>
chip_gen: v7x
topology: tpu7x:2x2x1
jax: 0.10.2.dev20260603
libtpu: 0.0.44.dev20260713+nightly
codegen_flags: <defaults>
</compile_context>

<pallas_src>
import functools

import jax
import jax.numpy as jnp
from jax import lax
from jax.experimental import pallas as pl
from jax.experimental.pallas import tpu as pltpu
from jax.experimental.pallas import tpu_sc as plsc

_B, _A, _C = 8, 4096, 64
_N, _S = 512, 32
_D = 128
_R2 = 0.2 * 0.2
_NB = 256
_NSPLIT = _N // _NB


def _fps_body(xt_ref, new_xyz_ref):
    X = xt_ref[0]
    Y = xt_ref[1]
    Z = xt_ref[2]
    col = lax.broadcasted_iota(jnp.int32, (_B, _A), 1)

    def body(i, carry):
        dists, far = carry
        onehot = col == far
        cx = jnp.sum(jnp.where(onehot, X, 0.0), axis=1, keepdims=True)
        cy = jnp.sum(jnp.where(onehot, Y, 0.0), axis=1, keepdims=True)
        cz = jnp.sum(jnp.where(onehot, Z, 0.0), axis=1, keepdims=True)
        new_xyz_ref[:, pl.ds(i, 1), :] = jnp.concatenate(
            [cx, cy, cz], axis=1).reshape(_B, 1, 3)
        d = (X - cx) ** 2 + (Y - cy) ** 2 + (Z - cz) ** 2
        dists = jnp.minimum(dists, d)
        m = jnp.max(dists, axis=1, keepdims=True)
        far = jnp.min(jnp.where(dists == m, col, _A), axis=1, keepdims=True)
        return dists, far

    dists0 = jnp.full((_B, _A), 1e10, dtype=jnp.float32)
    far0 = jnp.zeros((_B, 1), dtype=jnp.int32)
    lax.fori_loop(0, _N, body, (dists0, far0))


def _fps(xt):
    return pl.pallas_call(
        _fps_body,
        out_shape=jax.ShapeDtypeStruct((_B, _N, 3), jnp.float32),
    )(xt)


def _ballq_body(xtb_ref, nxyz_ref, idx_ref):
    b = pl.program_id(0)
    xtb = xtb_ref[0]
    X = xtb[0:1]
    Y = xtb[1:2]
    Z = xtb[2:3]
    na = nxyz_ref[0]
    nx = na[:, 0:1]
    ny = na[:, 1:2]
    nz = na[:, 2:3]
    d2 = (nx - X) ** 2 + (ny - Y) ** 2 + (nz - Z) ** 2
    mask = d2 <= jnp.float32(_R2)
    col = lax.broadcasted_iota(jnp.int32, (_NB, _A), 1)
    cols = []
    first = None
    for s in range(_S):
        cand = jnp.where(mask, col, _A)
        f = jnp.min(cand, axis=1, keepdims=True)
        if s == 0:
            first = f
            sel = f
        else:
            sel = jnp.where(f == _A, first, f)
        cols.append(sel)
        mask = jnp.logical_and(mask, col != f)
    idx = jnp.concatenate(cols, axis=1) + b * _A
    idx_ref[0, 0] = idx.reshape(1, 1, _NB, _S)[0, 0]


def _ballq(xtb, new_xyz):
    return pl.pallas_call(
        _ballq_body,
        grid=(_B, _NSPLIT),
        in_specs=[
            pl.BlockSpec((1, 3, _A), lambda b, h: (b, 0, 0)),
            pl.BlockSpec((1, _NB, 3), lambda b, h: (b, h, 0)),
        ],
        out_specs=pl.BlockSpec((1, 1, _NB, _S), lambda b, h: (b, h, 0, 0)),
        out_shape=jax.ShapeDtypeStruct((_B, _NSPLIT, _NB, _S), jnp.int32),
    )(xtb, new_xyz)


def _feat_body(xyz_ref, pts_ref, nxyz_ref, w0x_ref, w0p_ref, f_ref, c0_ref):
    w0x = w0x_ref[...]
    f = jnp.dot(xyz_ref[0], w0x, preferred_element_type=jnp.float32)
    f = f + jnp.dot(pts_ref[0], w0p_ref[...],
                    preferred_element_type=jnp.float32)
    f_ref[0] = f
    c0_ref[0] = jnp.dot(nxyz_ref[0], w0x, preferred_element_type=jnp.float32)


def _feat(xyz, points, new_xyz, w0x, w0p):
    return pl.pallas_call(
        _feat_body,
        grid=(_B,),
        in_specs=[
            pl.BlockSpec((1, _A, 3), lambda b: (b, 0, 0)),
            pl.BlockSpec((1, _A, _C), lambda b: (b, 0, 0)),
            pl.BlockSpec((1, _N, 3), lambda b: (b, 0, 0)),
            pl.BlockSpec((3, _D), lambda b: (0, 0)),
            pl.BlockSpec((_C, _D), lambda b: (0, 0)),
        ],
        out_specs=[
            pl.BlockSpec((1, _A, _D), lambda b: (b, 0, 0)),
            pl.BlockSpec((1, _N, _D), lambda b: (b, 0, 0)),
        ],
        out_shape=[
            jax.ShapeDtypeStruct((_B, _A, _D), jnp.float32),
            jax.ShapeDtypeStruct((_B, _N, _D), jnp.float32),
        ],
    )(xyz, points, new_xyz, w0x, w0p)


_NROWS = _B * _N * _S
_NW = 32
_CH = 128
_PER_W = _NROWS // _NW
_NCH = _PER_W // _CH


def _sc_gather(f2, idxg):
    mesh = plsc.VectorSubcoreMesh(core_axis_name="c", subcore_axis_name="s")

    @functools.partial(
        pl.kernel,
        out_type=jax.ShapeDtypeStruct((_NROWS, _D), jnp.float32),
        mesh=mesh,
        scratch_types=[
            pltpu.VMEM((_CH,), jnp.int32),
            pltpu.VMEM((_CH, _D), jnp.float32),
            pltpu.SemaphoreType.DMA,
        ],
    )
    def k(f_hbm, idx_hbm, out_hbm, idx_v, rows_v, sem):
        wid = lax.axis_index("s") * 2 + lax.axis_index("c")

        def body(j, _):
            base = wid * _PER_W + j * _CH
            pltpu.sync_copy(idx_hbm.at[pl.ds(base, _CH)], idx_v)
            pltpu.async_copy(f_hbm.at[idx_v], rows_v, sem).wait()
            pltpu.sync_copy(rows_v, out_hbm.at[pl.ds(base, _CH)])
            return 0

        lax.fori_loop(0, _NCH, body, 0)

    return k(f2, idxg)


def _mlp_body(g_ref, c0_ref, b0_ref, w1_ref, b1_ref, w2_ref, b2_ref, out_ref):
    adj = b0_ref[...] - c0_ref[0]
    g = g_ref[...].reshape(_NB, _S, _D)
    h = jnp.maximum(g + adj[:, None, :], 0.0).reshape(_NB * _S, _D)
    h = jnp.dot(h, w1_ref[...], preferred_element_type=jnp.float32)
    h = jnp.maximum(h + b1_ref[...], 0.0)
    h = jnp.dot(h, w2_ref[...], preferred_element_type=jnp.float32)
    h = jnp.maximum(h + b2_ref[...], 0.0)
    out_ref[0] = jnp.max(h.reshape(_NB, _S, 128), axis=1)


def _mlp(g, c0, b0, w1, b1, w2, b2):
    return pl.pallas_call(
        _mlp_body,
        grid=(_B, _NSPLIT),
        in_specs=[
            pl.BlockSpec((_NB * _S, _D), lambda b, h: (b * _NSPLIT + h, 0)),
            pl.BlockSpec((1, _NB, _D), lambda b, h: (b, h, 0)),
            pl.BlockSpec((1, _D), lambda b, h: (0, 0)),
            pl.BlockSpec((_D, _C), lambda b, h: (0, 0)),
            pl.BlockSpec((1, _C), lambda b, h: (0, 0)),
            pl.BlockSpec((_C, 128), lambda b, h: (0, 0)),
            pl.BlockSpec((1, 128), lambda b, h: (0, 0)),
        ],
        out_specs=pl.BlockSpec((1, _NB, 128), lambda b, h: (b, h, 0)),
        out_shape=jax.ShapeDtypeStruct((_B, _N, 128), jnp.float32),
    )(g, c0, b0, w1, b1, w2, b2)


def kernel(xyz, points, W0, b0, W1, b1, W2, b2):
    xt = jnp.transpose(xyz, (2, 0, 1))
    new_xyz = _fps(xt)
    xtb = jnp.transpose(xyz, (0, 2, 1))
    idx = _ballq(xtb, new_xyz)
    w0pad = jnp.pad(W0, ((0, 0), (0, _D - _C)))
    f, c0 = _feat(xyz, points, new_xyz, w0pad[:3], w0pad[3:])
    g = _sc_gather(f.reshape(_B * _A, _D), idx.reshape(_NROWS))
    w1pad = jnp.pad(W1, ((0, _D - _C), (0, 0)))
    new_points = _mlp(g, c0, jnp.pad(b0, (0, _D - _C)).reshape(1, _D),
                      w1pad, b1.reshape(1, _C), W2, b2.reshape(1, 128))
    return new_xyz, new_points

# --- scband reference (transcript-rebuilt; emitter-appended) ---
"""Pipeline reference for scband-point-net-sa-3032246911226 (READ-ONLY COPY).

The authoritative reference and input builder live on the scoring server;
editing this copy changes nothing except your own understanding.
"""

import jax, jax.numpy as jnp
import numpy as np

NPOINT = 512
RADIUS = 0.2
NSAMPLE = 32
FILTERS = [64, 64, 128]
B, A, C = 8, 4096, 64


def farthest_point_sample(npoint, xyz):
    b, a, _ = xyz.shape

    def body(i, state):
        idxs, dists, farthest = state
        idxs = idxs.at[:, i].set(farthest)
        centroid = jnp.take_along_axis(xyz, farthest[:, None, None], axis=1)  # [B,1,3]
        d = jnp.sum((xyz - centroid) ** 2, axis=-1)  # [B,A]
        dists = jnp.minimum(dists, d)
        farthest = jnp.argmax(dists, axis=-1).astype(jnp.int32)
        return idxs, dists, farthest

    idxs = jnp.zeros((b, npoint), dtype=jnp.int32)
    dists = jnp.full((b, a), 1e10, dtype=xyz.dtype)
    farthest = jnp.zeros((b,), dtype=jnp.int32)
    idxs, _, _ = jax.lax.fori_loop(0, npoint, body, (idxs, dists, farthest))
    return idxs


def query_ball_point(radius, nsample, xyz, new_xyz):
    # xyz [B,A,3], new_xyz [B,N,3] -> idx [B,N,nsample]
    sqrdists = jnp.sum((new_xyz[:, :, None, :] - xyz[:, None, :, :]) ** 2, axis=-1)  # [B,N,A]
    outside = (sqrdists > radius ** 2)
    # stable argsort: in-radius points first, in original index order
    idx = jnp.argsort(outside.astype(jnp.int32), axis=-1)[:, :, :nsample]
    sel_outside = jnp.take_along_axis(outside, idx, axis=-1)
    first = idx[:, :, 0:1]
    idx = jnp.where(sel_outside, first, idx)  # pad slots beyond pts_cnt with first index
    return idx


def group_point(pts, idx):
    # pts [B,A,D], idx [B,N,S] -> [B,N,S,D]
    return jax.vmap(lambda p, i: p[i])(pts, idx)


def setup_inputs(seed: int = 0) -> dict:
    key = jax.random.key(seed)
    ks = jax.random.split(key, 8)
    xyz = jax.random.uniform(ks[0], (B, A, 3), dtype=jnp.float32)
    points = jax.random.normal(ks[1], (B, A, C), dtype=jnp.float32)
    dims = [C + 3] + FILTERS
    inp = {"xyz": xyz, "points": points}
    for i in range(len(FILTERS)):
        inp[f"W{i}"] = jax.random.normal(ks[2 + i], (dims[i], dims[i + 1]), dtype=jnp.float32) * (1.0 / np.sqrt(dims[i]))
        inp[f"b{i}"] = jnp.zeros((dims[i + 1],), dtype=jnp.float32)
    return inp


def reference(xyz, points, W0, b0, W1, b1, W2, b2):
    # sample_and_group (ssg, group_all=False, use_xyz=True)
    fps_idx = farthest_point_sample(NPOINT, xyz)
    new_xyz = jnp.take_along_axis(xyz, fps_idx[:, :, None], axis=1)  # [B,N,3]
    idx = query_ball_point(RADIUS, NSAMPLE, xyz, new_xyz)  # [B,N,S]
    grouped_xyz = group_point(xyz, idx) - new_xyz[:, :, None, :]  # [B,N,S,3]
    grouped_points = group_point(points, idx)  # [B,N,S,C]
    h = jnp.concatenate([grouped_xyz, grouped_points], axis=-1)  # [B,N,S,C+3]
    # shared MLP (1x1 Conv2d stack, relu, bn disabled)
    for W, b in ((W0, b0), (W1, b1), (W2, b2)):
        h = jax.nn.relu(h @ W + b)
    new_points = jnp.max(h, axis=2)  # maxpool over neighborhood
    return new_xyz, new_points

if __name__ == "__main__":
    import jax
    _d = setup_inputs()
    print(jax.jit(kernel)(*tuple(_d.values())))

</pallas_src>

<mosaic_0001>
#map = affine_map<(d0, d1) -> (0, 0)>
#map1 = affine_map<(d0, d1) -> (0)>
module attributes {stable_mosaic.version = 14 : i64} {
  func.func @k(%arg0: i32, %arg1: i32, %arg2: memref<32768x128xf32, #tpu.memory_space<hbm>>, %arg3: memref<131072xi32, #tpu.memory_space<hbm>>, %arg4: memref<131072x128xf32, #tpu.memory_space<hbm>>, %arg5: memref<128xi32, #tpu.memory_space<vmem>>, %arg6: memref<128x128xf32, #tpu.memory_space<vmem>>, %arg7: memref<!tpu.dma_semaphore, #tpu.memory_space<semaphore_mem>>) attributes {dimension_semantics = [#tpu.dimension_semantics<core_parallel>, #tpu.dimension_semantics<subcore_parallel>], iteration_bounds = array<i64: 2, 16>, scalar_prefetch = 0 : i64, scratch_operands = 3 : i64, tpu.core_type = #tpu.core_type<sc_vector_subcore>, window_params = [{transform_indices = #map}, {transform_indices = #map1}, {transform_indices = #map}]} {
    %mul3A = arith.constant 2 : i32
    %mul3A_0 = arith.muli %arg1, %mul3A : i32
    %add3A = arith.addi %mul3A_0, %arg0 : i32
    %scan3A = arith.constant 0 : i32
    %scan3A_1 = arith.constant 0 : i32
    %scan3A_2 = arith.constant 32 : i32
    %scan3A_3 = arith.addi %scan3A_1, %scan3A_2 : i32
    %scan3A_4 = arith.constant 1 : i32
    %scan3A_5 = scf.for %scan3A_7 = %scan3A_1 to %scan3A_3 step %scan3A_4 iter_args(%scan3A_8 = %scan3A) -> (i32)  : i32 {
      %mul3A_9 = arith.constant 4096 : i32
      %mul3A_10 = arith.muli %add3A, %mul3A_9 : i32
      %mul3A_11 = arith.constant 128 : i32
      %mul3A_12 = arith.muli %scan3A_7, %mul3A_11 : i32
      %add3A_13 = arith.addi %mul3A_10, %mul3A_12 : i32
      "tpu.region"() ({
        %run_scoped3A = tpu.sem_alloc : memref<!tpu.dma_semaphore, #tpu.memory_space<semaphore_mem>>
        %dma_start3A_19 = tpu.memref_slice %arg3[%add3A_13] : memref<131072xi32, #tpu.memory_space<hbm>> -> memref<128xi32, #tpu.memory_space<hbm>>
        %dma_start3A_20 = tpu.memref_slice %arg3[%add3A_13] : memref<131072xi32, #tpu.memory_space<hbm>> -> memref<128xi32, #tpu.memory_space<hbm>>
        tpu.enqueue_dma source(%dma_start3A_20 : memref<128xi32, #tpu.memory_space<hbm>>) target(%arg5 : memref<128xi32, #tpu.memory_space<vmem>>) target_semaphore(%run_scoped3A : memref<!tpu.dma_semaphore, #tpu.memory_space<semaphore_mem>>)
        %dma_wait3A_21 = tpu.memref_slice %arg3[%add3A_13] : memref<131072xi32, #tpu.memory_space<hbm>> -> memref<128xi32, #tpu.memory_space<hbm>>
        %dma_wait3A_22 = tpu.memref_slice %arg3[%add3A_13] : memref<131072xi32, #tpu.memory_space<hbm>> -> memref<128xi32, #tpu.memory_space<hbm>>
        tpu.wait_dma2 semaphore(%run_scoped3A : memref<!tpu.dma_semaphore, #tpu.memory_space<semaphore_mem>>) src(%dma_wait3A_22 : memref<128xi32, #tpu.memory_space<hbm>>) dst(%arg5 : memref<128xi32, #tpu.memory_space<vmem>>)
        tpu.yield
      }) : () -> ()
      %dma_start3A = arith.constant 0 : i32
      %dma_start3A_14 = arith.constant 0 : i32
      %dma_start3A_15 = tpu.memref_slice %arg2[%dma_start3A, %dma_start3A_14] : memref<32768x128xf32, #tpu.memory_space<hbm>> -> memref<32768x128xf32, #tpu.memory_space<hbm>>
      tpu.enqueue_indirect_dma source(%dma_start3A_15 : memref<32768x128xf32, #tpu.memory_space<hbm>>) target(%arg6 : memref<128x128xf32, #tpu.memory_space<vmem>>) offsets(%arg5 : memref<128xi32, #tpu.memory_space<vmem>>) semaphore(%arg7 : memref<!tpu.dma_semaphore, #tpu.memory_space<semaphore_mem>>)
      %dma_wait3A = arith.constant 0 : i32
      %dma_wait3A_16 = arith.constant 0 : i32
      %dma_wait3A_17 = tpu.memref_slice %arg2[%dma_wait3A, %dma_wait3A_16] : memref<32768x128xf32, #tpu.memory_space<hbm>> -> memref<32768x128xf32, #tpu.memory_space<hbm>>
      tpu.wait_indirect_dma semaphore(%arg7 : memref<!tpu.dma_semaphore, #tpu.memory_space<semaphore_mem>>) src(%dma_wait3A_17 : memref<32768x128xf32, #tpu.memory_space<hbm>>) dst(%arg6 : memref<128x128xf32, #tpu.memory_space<vmem>>)
      "tpu.region"() ({
        %run_scoped3A = tpu.sem_alloc : memref<!tpu.dma_semaphore, #tpu.memory_space<semaphore_mem>>
        %dma_start3A_19 = arith.constant 0 : i32
        %dma_start3A_20 = tpu.memref_slice %arg4[%add3A_13, %dma_start3A_19] : memref<131072x128xf32, #tpu.memory_space<hbm>> -> memref<128x128xf32, #tpu.memory_space<hbm>>
        %dma_start3A_21 = arith.constant 0 : i32
        %dma_start3A_22 = tpu.memref_slice %arg4[%add3A_13, %dma_start3A_21] : memref<131072x128xf32, #tpu.memory_space<hbm>> -> memref<128x128xf32, #tpu.memory_space<hbm>>
        tpu.enqueue_dma source(%arg6 : memref<128x128xf32, #tpu.memory_space<vmem>>) target(%dma_start3A_22 : memref<128x128xf32, #tpu.memory_space<hbm>>) target_semaphore(%run_scoped3A : memref<!tpu.dma_semaphore, #tpu.memory_space<semaphore_mem>>)
        %dma_wait3A_23 = arith.constant 0 : i32
        %dma_wait3A_24 = tpu.memref_slice %arg4[%add3A_13, %dma_wait3A_23] : memref<131072x128xf32, #tpu.memory_space<hbm>> -> memref<128x128xf32, #tpu.memory_space<hbm>>
        %dma_wait3A_25 = arith.constant 0 : i32
        %dma_wait3A_26 = tpu.memref_slice %arg4[%add3A_13, %dma_wait3A_25] : memref<131072x128xf32, #tpu.memory_space<hbm>> -> memref<128x128xf32, #tpu.memory_space<hbm>>
        tpu.wait_dma2 semaphore(%run_scoped3A : memref<!tpu.dma_semaphore, #tpu.memory_space<semaphore_mem>>) src(%arg6 : memref<128x128xf32, #tpu.memory_space<vmem>>) dst(%dma_wait3A_26 : memref<128x128xf32, #tpu.memory_space<hbm>>)
        tpu.yield
      }) : () -> ()
      %scan3A_18 = arith.constant 0 : i32
      scf.yield %scan3A_18 : i32
    }
    %scan3A_6 = arith.constant 32 : i32
    return
  }
}

module attributes {stable_mosaic.version = 14 : i64} {
  func.func @_fps_body(%arg0: memref<3x8x4096xf32, #tpu.memory_space<vmem>>, %arg1: memref<8x512x3xf32, #tpu.memory_space<vmem>>) attributes {dimension_semantics = [], scalar_prefetch = 0 : i64, scratch_operands = 0 : i64, tpu.core_type = #tpu.core_type<tc>} {
    %get3A = arith.constant 0 : index
    %get3A_0 = arith.constant 0 : index
    %get3A_1 = arith.constant 0 : index
    %get3A_2 = vector.load %arg0[%get3A, %get3A_0, %get3A_1] : memref<3x8x4096xf32, #tpu.memory_space<vmem>>, vector<1x8x4096xf32>
    %get3A_3 = vector.shape_cast %get3A_2 : vector<1x8x4096xf32> to vector<8x4096xf32>
    %get3A_4 = arith.constant 1 : index
    %get3A_5 = arith.constant 0 : index
    %get3A_6 = arith.constant 0 : index
    %get3A_7 = vector.load %arg0[%get3A_4, %get3A_5, %get3A_6] : memref<3x8x4096xf32, #tpu.memory_space<vmem>>, vector<1x8x4096xf32>
    %get3A_8 = vector.shape_cast %get3A_7 : vector<1x8x4096xf32> to vector<8x4096xf32>
    %get3A_9 = arith.constant 2 : index
    %get3A_10 = arith.constant 0 : index
    %get3A_11 = arith.constant 0 : index
    %get3A_12 = vector.load %arg0[%get3A_9, %get3A_10, %get3A_11] : memref<3x8x4096xf32, #tpu.memory_space<vmem>>, vector<1x8x4096xf32>
    %get3A_13 = vector.shape_cast %get3A_12 : vector<1x8x4096xf32> to vector<8x4096xf32>
    %iota3A = tpu.iota {dimensions = array<i32: 1>} : vector<8x4096xi32>
    %broadcast_in_dim3A = arith.constant 1.000000e+10 : f32
    %broadcast_in_dim3A_14 = vector.broadcast %broadcast_in_dim3A : f32 to vector<8x4096xf32>
    %broadcast_in_dim3A_15 = arith.constant 0 : i32
    %broadcast_in_dim3A_16 = vector.broadcast %broadcast_in_dim3A_15 : i32 to vector<8x1xi32>
    %scan3A = arith.constant 0 : i32
    %scan3A_17 = arith.constant 512 : i32
    %scan3A_18 = arith.addi %scan3A, %scan3A_17 : i32
    %scan3A_19 = arith.constant 1 : i32
    %scan3A_20:2 = scf.for %scan3A_22 = %scan3A to %scan3A_18 step %scan3A_19 iter_args(%scan3A_23 = %broadcast_in_dim3A_14, %scan3A_24 = %broadcast_in_dim3A_16) -> (vector<8x4096xf32>, vector<8x1xi32>)  : i32 {
      %eq3A = vector.broadcast %scan3A_24 : vector<8x1xi32> to vector<8x4096xi32>
      %eq3A_25 = arith.cmpi eq, %iota3A, %eq3A : vector<8x4096xi32>
      %jit3A = arith.constant 0.000000e+00 : f32
      %broadcast_in_dim3A_26 = vector.broadcast %jit3A : f32 to vector<8x4096xf32>
      %select_n3A = arith.select %eq3A_25, %get3A_3, %broadcast_in_dim3A_26 : vector<8x4096xi1>, vector<8x4096xf32>
      %reduce_sum3A = arith.constant dense<0.000000e+00> : vector<8xf32>
      %reduce_sum3A_27 = vector.multi_reduction <add>, %select_n3A, %reduce_sum3A [1] : vector<8x4096xf32> to vector<8xf32>
      %broadcast_in_dim3A_28 = vector.shape_cast %reduce_sum3A_27 : vector<8xf32> to vector<8x1xf32>
      %jit3A_29 = arith.constant 0.000000e+00 : f32
      %broadcast_in_dim3A_30 = vector.broadcast %jit3A_29 : f32 to vector<8x4096xf32>
      %select_n3A_31 = arith.select %eq3A_25, %get3A_8, %broadcast_in_dim3A_30 : vector<8x4096xi1>, vector<8x4096xf32>
      %reduce_sum3A_32 = arith.constant dense<0.000000e+00> : vector<8xf32>
      %reduce_sum3A_33 = vector.multi_reduction <add>, %select_n3A_31, %reduce_sum3A_32 [1] : vector<8x4096xf32> to vector<8xf32>
      %broadcast_in_dim3A_34 = vector.shape_cast %reduce_sum3A_33 : vector<8xf32> to vector<8x1xf32>
      %jit3A_35 = arith.constant 0.000000e+00 : f32
      %broadcast_in_dim3A_36 = vector.broadcast %jit3A_35 : f32 to vector<8x4096xf32>
      %select_n3A_37 = arith.select %eq3A_25, %get3A_13, %broadcast_in_dim3A_36 : vector<8x4096xi1>, vector<8x4096xf32>
      %reduce_sum3A_38 = arith.constant dense<0.000000e+00> : vector<8xf32>
      %reduce_sum3A_39 = vector.multi_reduction <add>, %select_n3A_37, %reduce_sum3A_38 [1] : vector<8x4096xf32> to vector<8xf32>
      %broadcast_in_dim3A_40 = vector.shape_cast %reduce_sum3A_39 : vector<8xf32> to vector<8x1xf32>
      %concatenate3A = tpu.concatenate %broadcast_in_dim3A_28, %broadcast_in_dim3A_34, %broadcast_in_dim3A_40 in 1 : vector<8x1xf32>, vector<8x1xf32>, vector<8x1xf32> -> vector<8x3xf32>
      %reshape3A = vector.shape_cast %concatenate3A : vector<8x3xf32> to vector<8x1x3xf32>
      %swap3A = arith.constant 0 : index
      %swap3A_41 = arith.index_cast %scan3A_22 : i32 to index
      %swap3A_42 = arith.constant 0 : index
      %swap3A_43 = vector.load %arg1[%swap3A, %swap3A_41, %swap3A_42] : memref<8x512x3xf32, #tpu.memory_space<vmem>>, vector<8x1x3xf32>
      tpu.vector_store %arg1[%swap3A, %swap3A_41, %swap3A_42], %reshape3A {strides = array<i32>} : memref<8x512x3xf32, #tpu.memory_space<vmem>>, vector<8x1x3xf32>,
      %sub3A = vector.broadcast %broadcast_in_dim3A_28 : vector<8x1xf32> to vector<8x4096xf32>
      %sub3A_44 = arith.subf %get3A_3, %sub3A : vector<8x4096xf32>
      %integer_pow3A = arith.mulf %sub3A_44, %sub3A_44 : vector<8x4096xf32>
      %sub3A_45 = vector.broadcast %broadcast_in_dim3A_34 : vector<8x1xf32> to vector<8x4096xf32>
      %sub3A_46 = arith.subf %get3A_8, %sub3A_45 : vector<8x4096xf32>
      %integer_pow3A_47 = arith.mulf %sub3A_46, %sub3A_46 : vector<8x4096xf32>
      %add3A = arith.addf %integer_pow3A, %integer_pow3A_47 : vector<8x4096xf32>
      %sub3A_48 = vector.broadcast %broadcast_in_dim3A_40 : vector<8x1xf32> to vector<8x4096xf32>
      %sub3A_49 = arith.subf %get3A_13, %sub3A_48 : vector<8x4096xf32>
      %integer_pow3A_50 = arith.mulf %sub3A_49, %sub3A_49 : vector<8x4096xf32>
      %add3A_51 = arith.addf %add3A, %integer_pow3A_50 : vector<8x4096xf32>
      %min3A = arith.minimumf %scan3A_23, %add3A_51 : vector<8x4096xf32>
      %reduce_max3A = arith.constant dense<0xFF800000> : vector<8xf32>
      %reduce_max3A_52 = vector.multi_reduction <maximumf>, %min3A, %reduce_max3A [1] : vector<8x4096xf32> to vector<8xf32>
      %broadcast_in_dim3A_53 = vector.shape_cast %reduce_max3A_52 : vector<8xf32> to vector<8x1xf32>
      %eq3A_54 = vector.broadcast %broadcast_in_dim3A_53 : vector<8x1xf32> to vector<8x4096xf32>
      %eq3A_55 = arith.cmpf oeq, %min3A, %eq3A_54 : vector<8x4096xf32>
      %jit3A_56 = arith.constant 4096 : i32
      %broadcast_in_dim3A_57 = vector.broadcast %jit3A_56 : i32 to vector<8x4096xi32>
      %select_n3A_58 = arith.select %eq3A_55, %iota3A, %broadcast_in_dim3A_57 : vector<8x4096xi1>, vector<8x4096xi32>
      %reduce_min3A = arith.constant dense<2147483647> : vector<8xi32>
      %reduce_min3A_59 = vector.multi_reduction <minsi>, %select_n3A_58, %reduce_min3A [1] : vector<8x4096xi32> to vector<8xi32>
      %broadcast_in_dim3A_60 = vector.shape_cast %reduce_min3A_59 : vector<8xi32> to vector<8x1xi32>
      scf.yield %min3A, %broadcast_in_dim3A_60 : vector<8x4096xf32>, vector<8x1xi32>
    }
    %scan3A_21 = arith.constant 512 : i32
    return
  }
}

module attributes {stable_mosaic.version = 14 : i64} {
  func.func @_ballq_body(%arg0: i32, %arg1: i32, %arg2: memref<1x3x4096xf32, #tpu.memory_space<vmem>>, %arg3: memref<1x256x3xf32, #tpu.memory_space<vmem>>, %arg4: memref<1x1x256x32xi32, #tpu.memory_space<vmem>>) attributes {dimension_semantics = [#tpu.dimension_semantics<arbitrary>, #tpu.dimension_semantics<arbitrary>], iteration_bounds = array<i64: 8, 2>, scalar_prefetch = 0 : i64, scratch_operands = 0 : i64, tpu.core_type = #tpu.core_type<tc>, window_params = [{transform_indices = @transform_0, window_bounds = array<i64: 1, 3, 4096>}, {transform_indices = @transform_1, window_bounds = array<i64: 1, 256, 3>}, {transform_indices = @transform_2, window_bounds = array<i64: 1, 1, 256, 32>}]} {
    %get3A = arith.constant 0 : index
    %get3A_0 = arith.constant 0 : index
    %get3A_1 = arith.constant 0 : index
    %get3A_2 = vector.load %arg2[%get3A, %get3A_0, %get3A_1] : memref<1x3x4096xf32, #tpu.memory_space<vmem>>, vector<1x3x4096xf32>
    %get3A_3 = vector.shape_cast %get3A_2 : vector<1x3x4096xf32> to vector<3x4096xf32>
    %slice3A = vector.extract_strided_slice %get3A_3 {offsets = [0, 0], sizes = [1, 4096], strides = [1, 1]} : vector<3x4096xf32> to vector<1x4096xf32>
    %slice3A_4 = vector.extract_strided_slice %get3A_3 {offsets = [1, 0], sizes = [1, 4096], strides = [1, 1]} : vector<3x4096xf32> to vector<1x4096xf32>
    %slice3A_5 = vector.extract_strided_slice %get3A_3 {offsets = [2, 0], sizes = [1, 4096], strides = [1, 1]} : vector<3x4096xf32> to vector<1x4096xf32>
    %get3A_6 = arith.constant 0 : index
    %get3A_7 = arith.constant 0 : index
    %get3A_8 = arith.constant 0 : index
    %get3A_9 = vector.load %arg3[%get3A_6, %get3A_7, %get3A_8] : memref<1x256x3xf32, #tpu.memory_space<vmem>>, vector<1x256x3xf32>
    %get3A_10 = vector.shape_cast %get3A_9 : vector<1x256x3xf32> to vector<256x3xf32>
    %slice3A_11 = vector.extract_strided_slice %get3A_10 {offsets = [0, 0], sizes = [256, 1], strides = [1, 1]} : vector<256x3xf32> to vector<256x1xf32>
    %slice3A_12 = vector.extract_strided_slice %get3A_10 {offsets = [0, 1], sizes = [256, 1], strides = [1, 1]} : vector<256x3xf32> to vector<256x1xf32>
    %slice3A_13 = vector.extract_strided_slice %get3A_10 {offsets = [0, 2], sizes = [256, 1], strides = [1, 1]} : vector<256x3xf32> to vector<256x1xf32>
    %sub3A = vector.broadcast %slice3A_11 : vector<256x1xf32> to vector<256x4096xf32>
    %sub3A_14 = vector.broadcast %slice3A : vector<1x4096xf32> to vector<256x4096xf32>
    %sub3A_15 = arith.subf %sub3A, %sub3A_14 : vector<256x4096xf32>
    %integer_pow3A = arith.mulf %sub3A_15, %sub3A_15 : vector<256x4096xf32>
    %sub3A_16 = vector.broadcast %slice3A_12 : vector<256x1xf32> to vector<256x4096xf32>
    %sub3A_17 = vector.broadcast %slice3A_4 : vector<1x4096xf32> to vector<256x4096xf32>
    %sub3A_18 = arith.subf %sub3A_16, %sub3A_17 : vector<256x4096xf32>
    %integer_pow3A_19 = arith.mulf %sub3A_18, %sub3A_18 : vector<256x4096xf32>
    %add3A = arith.addf %integer_pow3A, %integer_pow3A_19 : vector<256x4096xf32>
    %sub3A_20 = vector.broadcast %slice3A_13 : vector<256x1xf32> to vector<256x4096xf32>
    %sub3A_21 = vector.broadcast %slice3A_5 : vector<1x4096xf32> to vector<256x4096xf32>
    %sub3A_22 = arith.subf %sub3A_20, %sub3A_21 : vector<256x4096xf32>
    %integer_pow3A_23 = arith.mulf %sub3A_22, %sub3A_22 : vector<256x4096xf32>
    %add3A_24 = arith.addf %add3A, %integer_pow3A_23 : vector<256x4096xf32>
    %le3A = arith.constant 4.000000e-02 : f32
    %le3A_25 = vector.broadcast %le3A : f32 to vector<256x4096xf32>
    %le3A_26 = arith.cmpf ole, %add3A_24, %le3A_25 : vector<256x4096xf32>
    %iota3A = tpu.iota {dimensions = array<i32: 1>} : vector<256x4096xi32>
    %jit3A = arith.constant 4096 : i32
    %broadcast_in_dim3A = vector.broadcast %jit3A : i32 to vector<256x4096xi32>
    %select_n3A = arith.select %le3A_26, %iota3A, %broadcast_in_dim3A : vector<256x4096xi1>, vector<256x4096xi32>
    %reduce_min3A = arith.constant dense<2147483647> : vector<256xi32>
    %reduce_min3A_27 = vector.multi_reduction <minsi>, %select_n3A, %reduce_min3A [1] : vector<256x4096xi32> to vector<256xi32>
    %broadcast_in_dim3A_28 = vector.shape_cast %reduce_min3A_27 : vector<256xi32> to vector<256x1xi32>
    %ne3A = vector.broadcast %broadcast_in_dim3A_28 : vector<256x1xi32> to vector<256x4096xi32>
    %ne3A_29 = arith.cmpi ne, %iota3A, %ne3A : vector<256x4096xi32>
    %and3A = arith.andi %le3A_26, %ne3A_29 : vector<256x4096xi1>
    %jit3A_30 = arith.constant 4096 : i32
    %broadcast_in_dim3A_31 = vector.broadcast %jit3A_30 : i32 to vector<256x4096xi32>
    %select_n3A_32 = arith.select %and3A, %iota3A, %broadcast_in_dim3A_31 : vector<256x4096xi1>, vector<256x4096xi32>
    %reduce_min3A_33 = arith.constant dense<2147483647> : vector<256xi32>
    %reduce_min3A_34 = vector.multi_reduction <minsi>, %select_n3A_32, %reduce_min3A_33 [1] : vector<256x4096xi32> to vector<256xi32>
    %broadcast_in_dim3A_35 = vector.shape_cast %reduce_min3A_34 : vector<256xi32> to vector<256x1xi32>
    %eq3A = arith.constant 4096 : i32
    %eq3A_36 = vector.broadcast %eq3A : i32 to vector<256x1xi32>
    %eq3A_37 = arith.cmpi eq, %broadcast_in_dim3A_35, %eq3A_36 : vector<256x1xi32>
    %select_n3A_38 = arith.select %eq3A_37, %broadcast_in_dim3A_28, %broadcast_in_dim3A_35 : vector<256x1xi1>, vector<256x1xi32>
    %ne3A_39 = vector.broadcast %broadcast_in_dim3A_35 : vector<256x1xi32> to vector<256x4096xi32>
    %ne3A_40 = arith.cmpi ne, %iota3A, %ne3A_39 : vector<256x4096xi32>
    %and3A_41 = arith.andi %and3A, %ne3A_40 : vector<256x4096xi1>
    %jit3A_42 = arith.constant 4096 : i32
    %broadcast_in_dim3A_43 = vector.broadcast %jit3A_42 : i32 to vector<256x4096xi32>
    %select_n3A_44 = arith.select %and3A_41, %iota3A, %broadcast_in_dim3A_43 : vector<256x4096xi1>, vector<256x4096xi32>
    %reduce_min3A_45 = arith.constant dense<2147483647> : vector<256xi32>
    %reduce_min3A_46 = vector.multi_reduction <minsi>, %select_n3A_44, %reduce_min3A_45 [1] : vector<256x4096xi32> to vector<256xi32>
    %broadcast_in_dim3A_47 = vector.shape_cast %reduce_min3A_46 : vector<256xi32> to vector<256x1xi32>
    %eq3A_48 = arith.constant 4096 : i32
    %eq3A_49 = vector.broadcast %eq3A_48 : i32 to vector<256x1xi32>
    %eq3A_50 = arith.cmpi eq, %broadcast_in_dim3A_47, %eq3A_49 : vector<256x1xi32>
    %select_n3A_51 = arith.select %eq3A_50, %broadcast_in_dim3A_28, %broadcast_in_dim3A_47 : vector<256x1xi1>, vector<256x1xi32>
    %ne3A_52 = vector.broadcast %broadcast_in_dim3A_47 : vector<256x1xi32> to vector<256x4096xi32>
    %ne3A_53 = arith.cmpi ne, %iota3A, %ne3A_52 : vector<256x4096xi32>
    %and3A_54 = arith.andi %and3A_41, %ne3A_53 : vector<256x4096xi1>
    %jit3A_55 = arith.constant 4096 : i32
    %broadcast_in_dim3A_56 = vector.broadcast %jit3A_55 : i32 to vector<256x4096xi32>
    %select_n3A_57 = arith.select %and3A_54, %iota3A, %broadcast_in_dim3A_56 : vector<256x4096xi1>, vector<256x4096xi32>
    %reduce_min3A_58 = arith.constant dense<2147483647> : vector<256xi32>
    %reduce_min3A_59 = vector.multi_reduction <minsi>, %select_n3A_57, %reduce_min3A_58 [1] : vector<256x4096xi32> to vector<256xi32>
    %broadcast_in_dim3A_60 = vector.shape_cast %reduce_min3A_59 : vector<256xi32> to vector<256x1xi32>
    %eq3A_61 = arith.constant 4096 : i32
    %eq3A_62 = vector.broadcast %eq3A_61 : i32 to vector<256x1xi32>
    %eq3A_63 = arith.cmpi eq, %broadcast_in_dim3A_60, %eq3A_62 : vector<256x1xi32>
    %select_n3A_64 = arith.select %eq3A_63, %broadcast_in_dim3A_28, %broadcast_in_dim3A_60 : vector<256x1xi1>, vector<256x1xi32>
    %ne3A_65 = vector.broadcast %broadcast_in_dim3A_60 : vector<256x1xi32> to vector<256x4096xi32>
    %ne3A_66 = arith.cmpi ne, %iota3A, %ne3A_65 : vector<256x4096xi32>
    %and3A_67 = arith.andi %and3A_54, %ne3A_66 : vector<256x4096xi1>
    %jit3A_68 = arith.constant 4096 : i32
    %broadcast_in_dim3A_69 = vector.broadcast %jit3A_68 : i32 to vector<256x4096xi32>
    %select_n3A_70 = arith.select %and3A_67, %iota3A, %broadcast_in_dim3A_69 : vector<256x4096xi1>, vector<256x4096xi32>
    %reduce_min3A_71 = arith.constant dense<2147483647> : vector<256xi32>
    %reduce_min3A_72 = vector.multi_reduction <minsi>, %select_n3A_70, %reduce_min3A_71 [1] : vector<256x4096xi32> to vector<256xi32>
    %broadcast_in_dim3A_73 = vector.shape_cast %reduce_min3A_72 : vector<256xi32> to vector<256x1xi32>
    %eq3A_74 = arith.constant 4096 : i32
    %eq3A_75 = vector.broadcast %eq3A_74 : i32 to vector<256x1xi32>
    %eq3A_76 = arith.cmpi eq, %broadcast_in_dim3A_73, %eq3A_75 : vector<256x1xi32>
    %select_n3A_77 = arith.select %eq3A_76, %broadcast_in_dim3A_28, %broadcast_in_dim3A_73 : vector<256x1xi1>, vector<256x1xi32>
    %ne3A_78 = vector.broadcast %broadcast_in_dim3A_73 : vector<256x1xi32> to vector<256x4096xi32>
    %ne3A_79 = arith.cmpi ne, %iota3A, %ne3A_78 : vector<256x4096xi32>
    %and3A_80 = arith.andi %and3A_67, %ne3A_79 : vector<256x4096xi1>
    %jit3A_81 = arith.constant 4096 : i32
    %broadcast_in_dim3A_82 = vector.broadcast %jit3A_81 : i32 to vector<256x4096xi32>
    %select_n3A_83 = arith.select %and3A_80, %iota3A, %broadcast_in_dim3A_82 : vector<256x4096xi1>, vector<256x4096xi32>
    %reduce_min3A_84 = arith.constant dense<2147483647> : vector<256xi32>
    %reduce_min3A_85 = vector.multi_reduction <minsi>, %select_n3A_83, %reduce_min3A_84 [1] : vector<256x4096xi32> to vector<256xi32>
    %broadcast_in_dim3A_86 = vector.shape_cast %reduce_min3A_85 : vector<256xi32> to vector<256x1xi32>
    %eq3A_87 = arith.constant 4096 : i32
    %eq3A_88 = vector.broadcast %eq3A_87 : i32 to vector<256x1xi32>
    %eq3A_89 = arith.cmpi eq, %broadcast_in_dim3A_86, %eq3A_88 : vector<256x1xi32>
    %select_n3A_90 = arith.select %eq3A_89, %broadcast_in_dim3A_28, %broadcast_in_dim3A_86 : vector<256x1xi1>, vector<256x1xi32>
    %ne3A_91 = vector.broadcast %broadcast_in_dim3A_86 : vector<256x1xi32> to vector<256x4096xi32>
    %ne3A_92 = arith.cmpi ne, %iota3A, %ne3A_91 : vector<256x4096xi32>
    %and3A_93 = arith.andi %and3A_80, %ne3A_92 : vector<256x4096xi1>
    %jit3A_94 = arith.constant 4096 : i32
    %broadcast_in_dim3A_95 = vector.broadcast %jit3A_94 : i32 to vector<256x4096xi32>
    %select_n3A_96 = arith.select %and3A_93, %iota3A, %broadcast_in_dim3A_95 : vector<256x4096xi1>, vector<256x4096xi32>
    %reduce_min3A_97 = arith.constant dense<2147483647> : vector<256xi32>
    %reduce_min3A_98 = vector.multi_reduction <minsi>, %select_n3A_96, %reduce_min3A_97 [1] : vector<256x4096xi32> to vector<256xi32>
    %broadcast_in_dim3A_99 = vector.shape_cast %reduce_min3A_98 : vector<256xi32> to vector<256x1xi32>
    %eq3A_100 = arith.constant 4096 : i32
    %eq3A_101 = vector.broadcast %eq3A_100 : i32 to vector<256x1xi32>
    %eq3A_102 = arith.cmpi eq, %broadcast_in_dim3A_99, %eq3A_101 : vector<256x1xi32>
    %select_n3A_103 = arith.select %eq3A_102, %broadcast_in_dim3A_28, %broadcast_in_dim3A_99 : vector<256x1xi1>, vector<256x1xi32>
    %ne3A_104 = vector.broadcast %broadcast_in_dim3A_99 : vector<256x1xi32> to vector<256x4096xi32>
    %ne3A_105 = arith.cmpi ne, %iota3A, %ne3A_104 : vector<256x4096xi32>
    %and3A_106 = arith.andi %and3A_93, %ne3A_105 : vector<256x4096xi1>
    %jit3A_107 = arith.constant 4096 : i32
    %broadcast_in_dim3A_108 = vector.broadcast %jit3A_107 : i32 to vector<256x4096xi32>
    %select_n3A_109 = arith.select %and3A_106, %iota3A, %broadcast_in_dim3A_108 : vector<256x4096xi1>, vector<256x4096xi32>
    %reduce_min3A_110 = arith.constant dense<2147483647> : vector<256xi32>
    %reduce_min3A_111 = vector.multi_reduction <minsi>, %select_n3A_109, %reduce_min3A_110 [1] : vector<256x4096xi32> to vector<256xi32>
    %broadcast_in_dim3A_112 = vector.shape_cast %reduce_min3A_111 : vector<256xi32> to vector<256x1xi32>
    %eq3A_113 = arith.constant 4096 : i32
    %eq3A_114 = vector.broadcast %eq3A_113 : i32 to vector<256x1xi32>
    %eq3A_115 = arith.cmpi eq, %broadcast_in_dim3A_112, %eq3A_114 : vector<256x1xi32>
    %select_n3A_116 = arith.select %eq3A_115, %broadcast_in_dim3A_28, %broadcast_in_dim3A_112 : vector<256x1xi1>, vector<256x1xi32>
    %ne3A_117 = vector.broadcast %broadcast_in_dim3A_112 : vector<256x1xi32> to vector<256x4096xi32>
    %ne3A_118 = arith.cmpi ne, %iota3A, %ne3A_117 : vector<256x4096xi32>
    %and3A_119 = arith.andi %and3A_106, %ne3A_118 : vector<256x4096xi1>
    %jit3A_120 = arith.constant 4096 : i32
    %broadcast_in_dim3A_121 = vector.broadcast %jit3A_120 : i32 to vector<256x4096xi32>
    %select_n3A_122 = arith.select %and3A_119, %iota3A, %broadcast_in_dim3A_121 : vector<256x4096xi1>, vector<256x4096xi32>
    %reduce_min3A_123 = arith.constant dense<2147483647> : vector<256xi32>
    %reduce_min3A_124 = vector.multi_reduction <minsi>, %select_n3A_122, %reduce_min3A_123 [1] : vector<256x4096xi32> to vector<256xi32>
    %broadcast_in_dim3A_125 = vector.shape_cast %reduce_min3A_124 : vector<256xi32> to vector<256x1xi32>
    %eq3A_126 = arith.constant 4096 : i32
    %eq3A_127 = vector.broadcast %eq3A_126 : i32 to vector<256x1xi32>
    %eq3A_128 = arith.cmpi eq, %broadcast_in_dim3A_125, %eq3A_127 : vector<256x1xi32>
    %select_n3A_129 = arith.select %eq3A_128, %broadcast_in_dim3A_28, %broadcast_in_dim3A_125 : vector<256x1xi1>, vector<256x1xi32>
    %ne3A_130 = vector.broadcast %broadcast_in_dim3A_125 : vector<256x1xi32> to vector<256x4096xi32>
    %ne3A_131 = arith.cmpi ne, %iota3A, %ne3A_130 : vector<256x4096xi32>
    %and3A_132 = arith.andi %and3A_119, %ne3A_131 : vector<256x4096xi1>
    %jit3A_133 = arith.constant 4096 : i32
    %broadcast_in_dim3A_134 = vector.broadcast %jit3A_133 : i32 to vector<256x4096xi32>
    %select_n3A_135 = arith.select %and3A_132, %iota3A, %broadcast_in_dim3A_134 : vector<256x4096xi1>, vector<256x4096xi32>
    %reduce_min3A_136 = arith.constant dense<2147483647> : vector<256xi32>
    %reduce_min3A_137 = vector.multi_reduction <minsi>, %select_n3A_135, %reduce_min3A_136 [1] : vector<256x4096xi32> to vector<256xi32>
    %broadcast_in_dim3A_138 = vector.shape_cast %reduce_min3A_137 : vector<256xi32> to vector<256x1xi32>
    %eq3A_139 = arith.constant 4096 : i32
    %eq3A_140 = vector.broadcast %eq3A_139 : i32 to vector<256x1xi32>
    %eq3A_141 = arith.cmpi eq, %broadcast_in_dim3A_138, %eq3A_140 : vector<256x1xi32>
    %select_n3A_142 = arith.select %eq3A_141, %broadcast_in_dim3A_28, %broadcast_in_dim3A_138 : vector<256x1xi1>, vector<256x1xi32>
    %ne3A_143 = vector.broadcast %broadcast_in_dim3A_138 : vector<256x1xi32> to vector<256x4096xi32>
    %ne3A_144 = arith.cmpi ne, %iota3A, %ne3A_143 : vector<256x4096xi32>
    %and3A_145 = arith.andi %and3A_132, %ne3A_144 : vector<256x4096xi1>
    %jit3A_146 = arith.constant 4096 : i32
    %broadcast_in_dim3A_147 = vector.broadcast %jit3A_146 : i32 to vector<256x4096xi32>
    %select_n3A_148 = arith.select %and3A_145, %iota3A, %broadcast_in_dim3A_147 : vector<256x4096xi1>, vector<256x4096xi32>
    %reduce_min3A_149 = arith.constant dense<2147483647> : vector<256xi32>
    %reduce_min3A_150 = vector.multi_reduction <minsi>, %select_n3A_148, %reduce_min3A_149 [1] : vector<256x4096xi32> to vector<256xi32>
    %broadcast_in_dim3A_151 = vector.shape_cast %reduce_min3A_150 : vector<256xi32> to vector<256x1xi32>
    %eq3A_152 = arith.constant 4096 : i32
    %eq3A_153 = vector.broadcast %eq3A_152 : i32 to vector<256x1xi32>
    %eq3A_154 = arith.cmpi eq, %broadcast_in_dim3A_151, %eq3A_153 : vector<256x1xi32>
    %select_n3A_155 = arith.select %eq3A_154, %broadcast_in_dim3A_28, %broadcast_in_dim3A_151 : vector<256x1xi1>, vector<256x1xi32>
    %ne3A_156 = vector.broadcast %broadcast_in_dim3A_151 : vector<256x1xi32> to vector<256x4096xi32>
    %ne3A_157 = arith.cmpi ne, %iota3A, %ne3A_156 : vector<256x4096xi32>
    %and3A_158 = arith.andi %and3A_145, %ne3A_157 : vector<256x4096xi1>
    %jit3A_159 = arith.constant 4096 : i32
    %broadcast_in_dim3A_160 = vector.broadcast %jit3A_159 : i32 to vector<256x4096xi32>
    %select_n3A_161 = arith.select %and3A_158, %iota3A, %broadcast_in_dim3A_160 : vector<256x4096xi1>, vector<256x4096xi32>
    %reduce_min3A_162 = arith.constant dense<2147483647> : vector<256xi32>
    %reduce_min3A_163 = vector.multi_reduction <minsi>, %select_n3A_161, %reduce_min3A_162 [1] : vector<256x4096xi32> to vector<256xi32>
    %broadcast_in_dim3A_164 = vector.shape_cast %reduce_min3A_163 : vector<256xi32> to vector<256x1xi32>
    %eq3A_165 = arith.constant 4096 : i32
    %eq3A_166 = vector.broadcast %eq3A_165 : i32 to vector<256x1xi32>
    %eq3A_167 = arith.cmpi eq, %broadcast_in_dim3A_164, %eq3A_166 : vector<256x1xi32>
    %select_n3A_168 = arith.select %eq3A_167, %broadcast_in_dim3A_28, %broadcast_in_dim3A_164 : vector<256x1xi1>, vector<256x1xi32>
    %ne3A_169 = vector.broadcast %broadcast_in_dim3A_164 : vector<256x1xi32> to vector<256x4096xi32>
    %ne3A_170 = arith.cmpi ne, %iota3A, %ne3A_169 : vector<256x4096xi32>
    %and3A_171 = arith.andi %and3A_158, %ne3A_170 : vector<256x4096xi1>
    %jit3A_172 = arith.constant 4096 : i32
    %broadcast_in_dim3A_173 = vector.broadcast %jit3A_172 : i32 to vector<256x4096xi32>
    %select_n3A_174 = arith.select %and3A_171, %iota3A, %broadcast_in_dim3A_173 : vector<256x4096xi1>, vector<256x4096xi32>
    %reduce_min3A_175 = arith.constant dense<2147483647> : vector<256xi32>
    %reduce_min3A_176 = vector.multi_reduction <minsi>, %select_n3A_174, %reduce_min3A_175 [1] : vector<256x4096xi32> to vector<256xi32>
    %broadcast_in_dim3A_177 = vector.shape_cast %reduce_min3A_176 : vector<256xi32> to vector<256x1xi32>
    %eq3A_178 = arith.constant 4096 : i32
    %eq3A_179 = vector.broadcast %eq3A_178 : i32 to vector<256x1xi32>
    %eq3A_180 = arith.cmpi eq, %broadcast_in_dim3A_177, %eq3A_179 : vector<256x1xi32>
    %select_n3A_181 = arith.select %eq3A_180, %broadcast_in_dim3A_28, %broadcast_in_dim3A_177 : vector<256x1xi1>, vector<256x1xi32>
    %ne3A_182 = vector.broadcast %broadcast_in_dim3A_177 : vector<256x1xi32> to vector<256x4096xi32>
    %ne3A_183 = arith.cmpi ne, %iota3A, %ne3A_182 : vector<256x4096xi32>
    %and3A_184 = arith.andi %and3A_171, %ne3A_183 : vector<256x4096xi1>
    %jit3A_185 = arith.constant 4096 : i32
    %broadcast_in_dim3A_186 = vector.broadcast %jit3A_185 : i32 to vector<256x4096xi32>
    %select_n3A_187 = arith.select %and3A_184, %iota3A, %broadcast_in_dim3A_186 : vector<256x4096xi1>, vector<256x4096xi32>
    %reduce_min3A_188 = arith.constant dense<2147483647> : vector<256xi32>
    %reduce_min3A_189 = vector.multi_reduction <minsi>, %select_n3A_187, %reduce_min3A_188 [1] : vector<256x4096xi32> to vector<256xi32>
    %broadcast_in_dim3A_190 = vector.shape_cast %reduce_min3A_189 : vector<256xi32> to vector<256x1xi32>
    %eq3A_191 = arith.constant 4096 : i32
    %eq3A_192 = vector.broadcast %eq3A_191 : i32 to vector<256x1xi32>
    %eq3A_193 = arith.cmpi eq, %broadcast_in_dim3A_190, %eq3A_192 : vector<256x1xi32>
    %select_n3A_194 = arith.select %eq3A_193, %broadcast_in_dim3A_28, %broadcast_in_dim3A_190 : vector<256x1xi1>, vector<256x1xi32>
    %ne3A_195 = vector.broadcast %broadcast_in_dim3A_190 : vector<256x1xi32> to vector<256x4096xi32>
    %ne3A_196 = arith.cmpi ne, %iota3A, %ne3A_195 : vector<256x4096xi32>
    %and3A_197 = arith.andi %and3A_184, %ne3A_196 : vector<256x4096xi1>
    %jit3A_198 = arith.constant 4096 : i32
    %broadcast_in_dim3A_199 = vector.broadcast %jit3A_198 : i32 to vector<256x4096xi32>
    %select_n3A_200 = arith.select %and3A_197, %iota3A, %broadcast_in_dim3A_199 : vector<256x4096xi1>, vector<256x4096xi32>
    %reduce_min3A_201 = arith.constant dense<2147483647> : vector<256xi32>
    %reduce_min3A_202 = vector.multi_reduction <minsi>, %select_n3A_200, %reduce_min3A_201 [1] : vector<256x4096xi32> to vector<256xi32>
    %broadcast_in_dim3A_203 = vector.shape_cast %reduce_min3A_202 : vector<256xi32> to vector<256x1xi32>
    %eq3A_204 = arith.constant 4096 : i32
    %eq3A_205 = vector.broadcast %eq3A_204 : i32 to vector<256x1xi32>
    %eq3A_206 = arith.cmpi eq, %broadcast_in_dim3A_203, %eq3A_205 : vector<256x1xi32>
    %select_n3A_207 = arith.select %eq3A_206, %broadcast_in_dim3A_28, %broadcast_in_dim3A_203 : vector<256x1xi1>, vector<256x1xi32>
    %ne3A_208 = vector.broadcast %broadcast_in_dim3A_203 : vector<256x1xi32> to vector<256x4096xi32>
    %ne3A_209 = arith.cmpi ne, %iota3A, %ne3A_208 : vector<256x4096xi32>
    %and3A_210 = arith.andi %and3A_197, %ne3A_209 : vector<256x4096xi1>
    %jit3A_211 = arith.constant 4096 : i32
    %broadcast_in_dim3A_212 = vector.broadcast %jit3A_211 : i32 to vector<256x4096xi32>
    %select_n3A_213 = arith.select %and3A_210, %iota3A, %broadcast_in_dim3A_212 : vector<256x4096xi1>, vector<256x4096xi32>
    %reduce_min3A_214 = arith.constant dense<2147483647> : vector<256xi32>
    %reduce_min3A_215 = vector.multi_reduction <minsi>, %select_n3A_213, %reduce_min3A_214 [1] : vector<256x4096xi32> to vector<256xi32>
    %broadcast_in_dim3A_216 = vector.shape_cast %reduce_min3A_215 : vector<256xi32> to vector<256x1xi32>
    %eq3A_217 = arith.constant 4096 : i32
    %eq3A_218 = vector.broadcast %eq3A_217 : i32 to vector<256x1xi32>
    %eq3A_219 = arith.cmpi eq, %broadcast_in_dim3A_216, %eq3A_218 : vector<256x1xi32>
    %select_n3A_220 = arith.select %eq3A_219, %broadcast_in_dim3A_28, %broadcast_in_dim3A_216 : vector<256x1xi1>, vector<256x1xi32>
    %ne3A_221 = vector.broadcast %broadcast_in_dim3A_216 : vector<256x1xi32> to vector<256x4096xi32>
    %ne3A_222 = arith.cmpi ne, %iota3A, %ne3A_221 : vector<256x4096xi32>
    %and3A_223 = arith.andi %and3A_210, %ne3A_222 : vector<256x4096xi1>
    %jit3A_224 = arith.constant 4096 : i32
    %broadcast_in_dim3A_225 = vector.broadcast %jit3A_224 : i32 to vector<256x4096xi32>
    %select_n3A_226 = arith.select %and3A_223, %iota3A, %broadcast_in_dim3A_225 : vector<256x4096xi1>, vector<256x4096xi32>
    %reduce_min3A_227 = arith.constant dense<2147483647> : vector<256xi32>
    %reduce_min3A_228 = vector.multi_reduction <minsi>, %select_n3A_226, %reduce_min3A_227 [1] : vector<256x4096xi32> to vector<256xi32>
    %broadcast_in_dim3A_229 = vector.shape_cast %reduce_min3A_228 : vector<256xi32> to vector<256x1xi32>
    %eq3A_230 = arith.constant 4096 : i32
    %eq3A_231 = vector.broadcast %eq3A_230 : i32 to vector<256x1xi32>
    %eq3A_232 = arith.cmpi eq, %broadcast_in_dim3A_229, %eq3A_231 : vector<256x1xi32>
    %select_n3A_233 = arith.select %eq3A_232, %broadcast_in_dim3A_28, %broadcast_in_dim3A_229 : vector<256x1xi1>, vector<256x1xi32>
    %ne3A_234 = vector.broadcast %broadcast_in_dim3A_229 : vector<256x1xi32> to vector<256x4096xi32>
    %ne3A_235 = arith.cmpi ne, %iota3A, %ne3A_234 : vector<256x4096xi32>
    %and3A_236 = arith.andi %and3A_223, %ne3A_235 : vector<256x4096xi1>
    %jit3A_237 = arith.constant 4096 : i32
    %broadcast_in_dim3A_238 = vector.broadcast %jit3A_237 : i32 to vector<256x4096xi32>
    %select_n3A_239 = arith.select %and3A_236, %iota3A, %broadcast_in_dim3A_238 : vector<256x4096xi1>, vector<256x4096xi32>
    %reduce_min3A_240 = arith.constant dense<2147483647> : vector<256xi32>
    %reduce_min3A_241 = vector.multi_reduction <minsi>, %select_n3A_239, %reduce_min3A_240 [1] : vector<256x4096xi32> to vector<256xi32>
    %broadcast_in_dim3A_242 = vector.shape_cast %reduce_min3A_241 : vector<256xi32> to vector<256x1xi32>
    %eq3A_243 = arith.constant 4096 : i32
    %eq3A_244 = vector.broadcast %eq3A_243 : i32 to vector<256x1xi32>
    %eq3A_245 = arith.cmpi eq, %broadcast_in_dim3A_242, %eq3A_244 : vector<256x1xi32>
    %select_n3A_246 = arith.select %eq3A_245, %broadcast_in_dim3A_28, %broadcast_in_dim3A_242 : vector<256x1xi1>, vector<256x1xi32>
    %ne3A_247 = vector.broadcast %broadcast_in_dim3A_242 : vector<256x1xi32> to vector<256x4096xi32>
    %ne3A_248 = arith.cmpi ne, %iota3A, %ne3A_247 : vector<256x4096xi32>
    %and3A_249 = arith.andi %and3A_236, %ne3A_248 : vector<256x4096xi1>
    %jit3A_250 = arith.constant 4096 : i32
    %broadcast_in_dim3A_251 = vector.broadcast %jit3A_250 : i32 to vector<256x4096xi32>
    %select_n3A_252 = arith.select %and3A_249, %iota3A, %broadcast_in_dim3A_251 : vector<256x4096xi1>, vector<256x4096xi32>
    %reduce_min3A_253 = arith.constant dense<2147483647> : vector<256xi32>
    %reduce_min3A_254 = vector.multi_reduction <minsi>, %select_n3A_252, %reduce_min3A_253 [1] : vector<256x4096xi32> to vector<256xi32>
    %broadcast_in_dim3A_255 = vector.shape_cast %reduce_min3A_254 : vector<256xi32> to vector<256x1xi32>
    %eq3A_256 = arith.constant 4096 : i32
    %eq3A_257 = vector.broadcast %eq3A_256 : i32 to vector<256x1xi32>
    %eq3A_258 = arith.cmpi eq, %broadcast_in_dim3A_255, %eq3A_257 : vector<256x1xi32>
    %select_n3A_259 = arith.select %eq3A_258, %broadcast_in_dim3A_28, %broadcast_in_dim3A_255 : vector<256x1xi1>, vector<256x1xi32>
    %ne3A_260 = vector.broadcast %broadcast_in_dim3A_255 : vector<256x1xi32> to vector<256x4096xi32>
    %ne3A_261 = arith.cmpi ne, %iota3A, %ne3A_260 : vector<256x4096xi32>
    %and3A_262 = arith.andi %and3A_249, %ne3A_261 : vector<256x4096xi1>
    %jit3A_263 = arith.constant 4096 : i32
    %broadcast_in_dim3A_264 = vector.broadcast %jit3A_263 : i32 to vector<256x4096xi32>
    %select_n3A_265 = arith.select %and3A_262, %iota3A, %broadcast_in_dim3A_264 : vector<256x4096xi1>, vector<256x4096xi32>
    %reduce_min3A_266 = arith.constant dense<2147483647> : vector<256xi32>
    %reduce_min3A_267 = vector.multi_reduction <minsi>, %select_n3A_265, %reduce_min3A_266 [1] : vector<256x4096xi32> to vector<256xi32>
    %broadcast_in_dim3A_268 = vector.shape_cast %reduce_min3A_267 : vector<256xi32> to vector<256x1xi32>
    %eq3A_269 = arith.constant 4096 : i32
    %eq3A_270 = vector.broadcast %eq3A_269 : i32 to vector<256x1xi32>
    %eq3A_271 = arith.cmpi eq, %broadcast_in_dim3A_268, %eq3A_270 : vector<256x1xi32>
    %select_n3A_272 = arith.select %eq3A_271, %broadcast_in_dim3A_28, %broadcast_in_dim3A_268 : vector<256x1xi1>, vector<256x1xi32>
    %ne3A_273 = vector.broadcast %broadcast_in_dim3A_268 : vector<256x1xi32> to vector<256x4096xi32>
    %ne3A_274 = arith.cmpi ne, %iota3A, %ne3A_273 : vector<256x4096xi32>
    %and3A_275 = arith.andi %and3A_262, %ne3A_274 : vector<256x4096xi1>
    %jit3A_276 = arith.constant 4096 : i32
    %broadcast_in_dim3A_277 = vector.broadcast %jit3A_276 : i32 to vector<256x4096xi32>
    %select_n3A_278 = arith.select %and3A_275, %iota3A, %broadcast_in_dim3A_277 : vector<256x4096xi1>, vector<256x4096xi32>
    %reduce_min3A_279 = arith.constant dense<2147483647> : vector<256xi32>
    %reduce_min3A_280 = vector.multi_reduction <minsi>, %select_n3A_278, %reduce_min3A_279 [1] : vector<256x4096xi32> to vector<256xi32>
    %broadcast_in_dim3A_281 = vector.shape_cast %reduce_min3A_280 : vector<256xi32> to vector<256x1xi32>
    %eq3A_282 = arith.constant 4096 : i32
    %eq3A_283 = vector.broadcast %eq3A_282 : i32 to vector<256x1xi32>
    %eq3A_284 = arith.cmpi eq, %broadcast_in_dim3A_281, %eq3A_283 : vector<256x1xi32>
    %select_n3A_285 = arith.select %eq3A_284, %broadcast_in_dim3A_28, %broadcast_in_dim3A_281 : vector<256x1xi1>, vector<256x1xi32>
    %ne3A_286 = vector.broadcast %broadcast_in_dim3A_281 : vector<256x1xi32> to vector<256x4096xi32>
    %ne3A_287 = arith.cmpi ne, %iota3A, %ne3A_286 : vector<256x4096xi32>
    %and3A_288 = arith.andi %and3A_275, %ne3A_287 : vector<256x4096xi1>
    %jit3A_289 = arith.constant 4096 : i32
    %broadcast_in_dim3A_290 = vector.broadcast %jit3A_289 : i32 to vector<256x4096xi32>
    %select_n3A_291 = arith.select %and3A_288, %iota3A, %broadcast_in_dim3A_290 : vector<256x4096xi1>, vector<256x4096xi32>
    %reduce_min3A_292 = arith.constant dense<2147483647> : vector<256xi32>
    %reduce_min3A_293 = vector.multi_reduction <minsi>, %select_n3A_291, %reduce_min3A_292 [1] : vector<256x4096xi32> to vector<256xi32>
    %broadcast_in_dim3A_294 = vector.shape_cast %reduce_min3A_293 : vector<256xi32> to vector<256x1xi32>
    %eq3A_295 = arith.constant 4096 : i32
    %eq3A_296 = vector.broadcast %eq3A_295 : i32 to vector<256x1xi32>
    %eq3A_297 = arith.cmpi eq, %broadcast_in_dim3A_294, %eq3A_296 : vector<256x1xi32>
    %select_n3A_298 = arith.select %eq3A_297, %broadcast_in_dim3A_28, %broadcast_in_dim3A_294 : vector<256x1xi1>, vector<256x1xi32>
    %ne3A_299 = vector.broadcast %broadcast_in_dim3A_294 : vector<256x1xi32> to vector<256x4096xi32>
    %ne3A_300 = arith.cmpi ne, %iota3A, %ne3A_299 : vector<256x4096xi32>
    %and3A_301 = arith.andi %and3A_288, %ne3A_300 : vector<256x4096xi1>
    %jit3A_302 = arith.constant 4096 : i32
    %broadcast_in_dim3A_303 = vector.broadcast %jit3A_302 : i32 to vector<256x4096xi32>
    %select_n3A_304 = arith.select %and3A_301, %iota3A, %broadcast_in_dim3A_303 : vector<256x4096xi1>, vector<256x4096xi32>
    %reduce_min3A_305 = arith.constant dense<2147483647> : vector<256xi32>
    %reduce_min3A_306 = vector.multi_reduction <minsi>, %select_n3A_304, %reduce_min3A_305 [1] : vector<256x4096xi32> to vector<256xi32>
    %broadcast_in_dim3A_307 = vector.shape_cast %reduce_min3A_306 : vector<256xi32> to vector<256x1xi32>
    %eq3A_308 = arith.constant 4096 : i32
    %eq3A_309 = vector.broadcast %eq3A_308 : i32 to vector<256x1xi32>
    %eq3A_310 = arith.cmpi eq, %broadcast_in_dim3A_307, %eq3A_309 : vector<256x1xi32>
    %select_n3A_311 = arith.select %eq3A_310, %broadcast_in_dim3A_28, %broadcast_in_dim3A_307 : vector<256x1xi1>, vector<256x1xi32>
    %ne3A_312 = vector.broadcast %broadcast_in_dim3A_307 : vector<256x1xi32> to vector<256x4096xi32>
    %ne3A_313 = arith.cmpi ne, %iota3A, %ne3A_312 : vector<256x4096xi32>
    %and3A_314 = arith.andi %and3A_301, %ne3A_313 : vector<256x4096xi1>
    %jit3A_315 = arith.constant 4096 : i32
    %broadcast_in_dim3A_316 = vector.broadcast %jit3A_315 : i32 to vector<256x4096xi32>
    %select_n3A_317 = arith.select %and3A_314, %iota3A, %broadcast_in_dim3A_316 : vector<256x4096xi1>, vector<256x4096xi32>
    %reduce_min3A_318 = arith.constant dense<2147483647> : vector<256xi32>
    %reduce_min3A_319 = vector.multi_reduction <minsi>, %select_n3A_317, %reduce_min3A_318 [1] : vector<256x4096xi32> to vector<256xi32>
    %broadcast_in_dim3A_320 = vector.shape_cast %reduce_min3A_319 : vector<256xi32> to vector<256x1xi32>
    %eq3A_321 = arith.constant 4096 : i32
    %eq3A_322 = vector.broadcast %eq3A_321 : i32 to vector<256x1xi32>
    %eq3A_323 = arith.cmpi eq, %broadcast_in_dim3A_320, %eq3A_322 : vector<256x1xi32>
    %select_n3A_324 = arith.select %eq3A_323, %broadcast_in_dim3A_28, %broadcast_in_dim3A_320 : vector<256x1xi1>, vector<256x1xi32>
    %ne3A_325 = vector.broadcast %broadcast_in_dim3A_320 : vector<256x1xi32> to vector<256x4096xi32>
    %ne3A_326 = arith.cmpi ne, %iota3A, %ne3A_325 : vector<256x4096xi32>
    %and3A_327 = arith.andi %and3A_314, %ne3A_326 : vector<256x4096xi1>
    %jit3A_328 = arith.constant 4096 : i32
    %broadcast_in_dim3A_329 = vector.broadcast %jit3A_328 : i32 to vector<256x4096xi32>
    %select_n3A_330 = arith.select %and3A_327, %iota3A, %broadcast_in_dim3A_329 : vector<256x4096xi1>, vector<256x4096xi32>
    %reduce_min3A_331 = arith.constant dense<2147483647> : vector<256xi32>
    %reduce_min3A_332 = vector.multi_reduction <minsi>, %select_n3A_330, %reduce_min3A_331 [1] : vector<256x4096xi32> to vector<256xi32>
    %broadcast_in_dim3A_333 = vector.shape_cast %reduce_min3A_332 : vector<256xi32> to vector<256x1xi32>
    %eq3A_334 = arith.constant 4096 : i32
    %eq3A_335 = vector.broadcast %eq3A_334 : i32 to vector<256x1xi32>
    %eq3A_336 = arith.cmpi eq, %broadcast_in_dim3A_333, %eq3A_335 : vector<256x1xi32>
    %select_n3A_337 = arith.select %eq3A_336, %broadcast_in_dim3A_28, %broadcast_in_dim3A_333 : vector<256x1xi1>, vector<256x1xi32>
    %ne3A_338 = vector.broadcast %broadcast_in_dim3A_333 : vector<256x1xi32> to vector<256x4096xi32>
    %ne3A_339 = arith.cmpi ne, %iota3A, %ne3A_338 : vector<256x4096xi32>
    %and3A_340 = arith.andi %and3A_327, %ne3A_339 : vector<256x4096xi1>
    %jit3A_341 = arith.constant 4096 : i32
    %broadcast_in_dim3A_342 = vector.broadcast %jit3A_341 : i32 to vector<256x4096xi32>
    %select_n3A_343 = arith.select %and3A_340, %iota3A, %broadcast_in_dim3A_342 : vector<256x4096xi1>, vector<256x4096xi32>
    %reduce_min3A_344 = arith.constant dense<2147483647> : vector<256xi32>
    %reduce_min3A_345 = vector.multi_reduction <minsi>, %select_n3A_343, %reduce_min3A_344 [1] : vector<256x4096xi32> to vector<256xi32>
    %broadcast_in_dim3A_346 = vector.shape_cast %reduce_min3A_345 : vector<256xi32> to vector<256x1xi32>
    %eq3A_347 = arith.constant 4096 : i32
    %eq3A_348 = vector.broadcast %eq3A_347 : i32 to vector<256x1xi32>
    %eq3A_349 = arith.cmpi eq, %broadcast_in_dim3A_346, %eq3A_348 : vector<256x1xi32>
    %select_n3A_350 = arith.select %eq3A_349, %broadcast_in_dim3A_28, %broadcast_in_dim3A_346 : vector<256x1xi1>, vector<256x1xi32>
    %ne3A_351 = vector.broadcast %broadcast_in_dim3A_346 : vector<256x1xi32> to vector<256x4096xi32>
    %ne3A_352 = arith.cmpi ne, %iota3A, %ne3A_351 : vector<256x4096xi32>
    %and3A_353 = arith.andi %and3A_340, %ne3A_352 : vector<256x4096xi1>
    %jit3A_354 = arith.constant 4096 : i32
    %broadcast_in_dim3A_355 = vector.broadcast %jit3A_354 : i32 to vector<256x4096xi32>
    %select_n3A_356 = arith.select %and3A_353, %iota3A, %broadcast_in_dim3A_355 : vector<256x4096xi1>, vector<256x4096xi32>
    %reduce_min3A_357 = arith.constant dense<2147483647> : vector<256xi32>
    %reduce_min3A_358 = vector.multi_reduction <minsi>, %select_n3A_356, %reduce_min3A_357 [1] : vector<256x4096xi32> to vector<256xi32>
    %broadcast_in_dim3A_359 = vector.shape_cast %reduce_min3A_358 : vector<256xi32> to vector<256x1xi32>
    %eq3A_360 = arith.constant 4096 : i32
    %eq3A_361 = vector.broadcast %eq3A_360 : i32 to vector<256x1xi32>
    %eq3A_362 = arith.cmpi eq, %broadcast_in_dim3A_359, %eq3A_361 : vector<256x1xi32>
    %select_n3A_363 = arith.select %eq3A_362, %broadcast_in_dim3A_28, %broadcast_in_dim3A_359 : vector<256x1xi1>, vector<256x1xi32>
    %ne3A_364 = vector.broadcast %broadcast_in_dim3A_359 : vector<256x1xi32> to vector<256x4096xi32>
    %ne3A_365 = arith.cmpi ne, %iota3A, %ne3A_364 : vector<256x4096xi32>
    %and3A_366 = arith.andi %and3A_353, %ne3A_365 : vector<256x4096xi1>
    %jit3A_367 = arith.constant 4096 : i32
    %broadcast_in_dim3A_368 = vector.broadcast %jit3A_367 : i32 to vector<256x4096xi32>
    %select_n3A_369 = arith.select %and3A_366, %iota3A, %broadcast_in_dim3A_368 : vector<256x4096xi1>, vector<256x4096xi32>
    %reduce_min3A_370 = arith.constant dense<2147483647> : vector<256xi32>
    %reduce_min3A_371 = vector.multi_reduction <minsi>, %select_n3A_369, %reduce_min3A_370 [1] : vector<256x4096xi32> to vector<256xi32>
    %broadcast_in_dim3A_372 = vector.shape_cast %reduce_min3A_371 : vector<256xi32> to vector<256x1xi32>
    %eq3A_373 = arith.constant 4096 : i32
    %eq3A_374 = vector.broadcast %eq3A_373 : i32 to vector<256x1xi32>
    %eq3A_375 = arith.cmpi eq, %broadcast_in_dim3A_372, %eq3A_374 : vector<256x1xi32>
    %select_n3A_376 = arith.select %eq3A_375, %broadcast_in_dim3A_28, %broadcast_in_dim3A_372 : vector<256x1xi1>, vector<256x1xi32>
    %ne3A_377 = vector.broadcast %broadcast_in_dim3A_372 : vector<256x1xi32> to vector<256x4096xi32>
    %ne3A_378 = arith.cmpi ne, %iota3A, %ne3A_377 : vector<256x4096xi32>
    %and3A_379 = arith.andi %and3A_366, %ne3A_378 : vector<256x4096xi1>
    %jit3A_380 = arith.constant 4096 : i32
    %broadcast_in_dim3A_381 = vector.broadcast %jit3A_380 : i32 to vector<256x4096xi32>
    %select_n3A_382 = arith.select %and3A_379, %iota3A, %broadcast_in_dim3A_381 : vector<256x4096xi1>, vector<256x4096xi32>
    %reduce_min3A_383 = arith.constant dense<2147483647> : vector<256xi32>
    %reduce_min3A_384 = vector.multi_reduction <minsi>, %select_n3A_382, %reduce_min3A_383 [1] : vector<256x4096xi32> to vector<256xi32>
    %broadcast_in_dim3A_385 = vector.shape_cast %reduce_min3A_384 : vector<256xi32> to vector<256x1xi32>
    %eq3A_386 = arith.constant 4096 : i32
    %eq3A_387 = vector.broadcast %eq3A_386 : i32 to vector<256x1xi32>
    %eq3A_388 = arith.cmpi eq, %broadcast_in_dim3A_385, %eq3A_387 : vector<256x1xi32>
    %select_n3A_389 = arith.select %eq3A_388, %broadcast_in_dim3A_28, %broadcast_in_dim3A_385 : vector<256x1xi1>, vector<256x1xi32>
    %ne3A_390 = vector.broadcast %broadcast_in_dim3A_385 : vector<256x1xi32> to vector<256x4096xi32>
    %ne3A_391 = arith.cmpi ne, %iota3A, %ne3A_390 : vector<256x4096xi32>
    %and3A_392 = arith.andi %and3A_379, %ne3A_391 : vector<256x4096xi1>
    %jit3A_393 = arith.constant 4096 : i32
    %broadcast_in_dim3A_394 = vector.broadcast %jit3A_393 : i32 to vector<256x4096xi32>
    %select_n3A_395 = arith.select %and3A_392, %iota3A, %broadcast_in_dim3A_394 : vector<256x4096xi1>, vector<256x4096xi32>
    %reduce_min3A_396 = arith.constant dense<2147483647> : vector<256xi32>
    %reduce_min3A_397 = vector.multi_reduction <minsi>, %select_n3A_395, %reduce_min3A_396 [1] : vector<256x4096xi32> to vector<256xi32>
    %broadcast_in_dim3A_398 = vector.shape_cast %reduce_min3A_397 : vector<256xi32> to vector<256x1xi32>
    %eq3A_399 = arith.constant 4096 : i32
    %eq3A_400 = vector.broadcast %eq3A_399 : i32 to vector<256x1xi32>
    %eq3A_401 = arith.cmpi eq, %broadcast_in_dim3A_398, %eq3A_400 : vector<256x1xi32>
    %select_n3A_402 = arith.select %eq3A_401, %broadcast_in_dim3A_28, %broadcast_in_dim3A_398 : vector<256x1xi1>, vector<256x1xi32>
    %ne3A_403 = vector.broadcast %broadcast_in_dim3A_398 : vector<256x1xi32> to vector<256x4096xi32>
    %ne3A_404 = arith.cmpi ne, %iota3A, %ne3A_403 : vector<256x4096xi32>
    %and3A_405 = arith.andi %and3A_392, %ne3A_404 : vector<256x4096xi1>
    %jit3A_406 = arith.constant 4096 : i32
    %broadcast_in_dim3A_407 = vector.broadcast %jit3A_406 : i32 to vector<256x4096xi32>
    %select_n3A_408 = arith.select %and3A_405, %iota3A, %broadcast_in_dim3A_407 : vector<256x4096xi1>, vector<256x4096xi32>
    %reduce_min3A_409 = arith.constant dense<2147483647> : vector<256xi32>
    %reduce_min3A_410 = vector.multi_reduction <minsi>, %select_n3A_408, %reduce_min3A_409 [1] : vector<256x4096xi32> to vector<256xi32>
    %broadcast_in_dim3A_411 = vector.shape_cast %reduce_min3A_410 : vector<256xi32> to vector<256x1xi32>
    %eq3A_412 = arith.constant 4096 : i32
    %eq3A_413 = vector.broadcast %eq3A_412 : i32 to vector<256x1xi32>
    %eq3A_414 = arith.cmpi eq, %broadcast_in_dim3A_411, %eq3A_413 : vector<256x1xi32>
    %select_n3A_415 = arith.select %eq3A_414, %broadcast_in_dim3A_28, %broadcast_in_dim3A_411 : vector<256x1xi1>, vector<256x1xi32>
    %ne3A_416 = vector.broadcast %broadcast_in_dim3A_411 : vector<256x1xi32> to vector<256x4096xi32>
    %ne3A_417 = arith.cmpi ne, %iota3A, %ne3A_416 : vector<256x4096xi32>
    %and3A_418 = arith.andi %and3A_405, %ne3A_417 : vector<256x4096xi1>
    %jit3A_419 = arith.constant 4096 : i32
    %broadcast_in_dim3A_420 = vector.broadcast %jit3A_419 : i32 to vector<256x4096xi32>
    %select_n3A_421 = arith.select %and3A_418, %iota3A, %broadcast_in_dim3A_420 : vector<256x4096xi1>, vector<256x4096xi32>
    %reduce_min3A_422 = arith.constant dense<2147483647> : vector<256xi32>
    %reduce_min3A_423 = vector.multi_reduction <minsi>, %select_n3A_421, %reduce_min3A_422 [1] : vector<256x4096xi32> to vector<256xi32>
    %broadcast_in_dim3A_424 = vector.shape_cast %reduce_min3A_423 : vector<256xi32> to vector<256x1xi32>
    %eq3A_425 = arith.constant 4096 : i32
    %eq3A_426 = vector.broadcast %eq3A_425 : i32 to vector<256x1xi32>
    %eq3A_427 = arith.cmpi eq, %broadcast_in_dim3A_424, %eq3A_426 : vector<256x1xi32>
    %select_n3A_428 = arith.select %eq3A_427, %broadcast_in_dim3A_28, %broadcast_in_dim3A_424 : vector<256x1xi1>, vector<256x1xi32>
    %concatenate3A = tpu.concatenate %broadcast_in_dim3A_28, %select_n3A_38, %select_n3A_51, %select_n3A_64, %select_n3A_77, %select_n3A_90, %select_n3A_103, %select_n3A_116, %select_n3A_129, %select_n3A_142, %select_n3A_155, %select_n3A_168, %select_n3A_181, %select_n3A_194, %select_n3A_207, %select_n3A_220, %select_n3A_233, %select_n3A_246, %select_n3A_259, %select_n3A_272, %select_n3A_285, %select_n3A_298, %select_n3A_311, %select_n3A_324, %select_n3A_337, %select_n3A_350, %select_n3A_363, %select_n3A_376, %select_n3A_389, %select_n3A_402, %select_n3A_415, %select_n3A_428 in 1 : vector<256x1xi32>, vector<256x1xi32>, vector<256x1xi32>, vector<256x1xi32>, vector<256x1xi32>, vector<256x1xi32>, vector<256x1xi32>, vector<256x1xi32>, vector<256x1xi32>, vector<256x1xi32>, vector<256x1xi32>, vector<256x1xi32>, vector<256x1xi32>, vector<256x1xi32>, vector<256x1xi32>, vector<256x1xi32>, vector<256x1xi32>, vector<256x1xi32>, vector<256x1xi32>, vector<256x1xi32>, vector<256x1xi32>, vector<256x1xi32>, vector<256x1xi32>, vector<256x1xi32>, vector<256x1xi32>, vector<256x1xi32>, vector<256x1xi32>, vector<256x1xi32>, vector<256x1xi32>, vector<256x1xi32>, vector<256x1xi32>, vector<256x1xi32> -> vector<256x32xi32>
    %mul3A = arith.constant 4096 : i32
    %mul3A_429 = arith.muli %arg0, %mul3A : i32
    %add3A_430 = vector.broadcast %mul3A_429 : i32 to vector<256x32xi32>
    %add3A_431 = arith.addi %concatenate3A, %add3A_430 : vector<256x32xi32>
    %reshape3A = vector.shape_cast %add3A_431 : vector<256x32xi32> to vector<1x1x256x32xi32>
    %squeeze3A = vector.shape_cast %reshape3A : vector<1x1x256x32xi32> to vector<256x32xi32>
    %swap3A = arith.constant 0 : index
    %swap3A_432 = arith.constant 0 : index
    %swap3A_433 = arith.constant 0 : index
    %swap3A_434 = arith.constant 0 : index
    %swap3A_435 = vector.load %arg4[%swap3A, %swap3A_432, %swap3A_433, %swap3A_434] : memref<1x1x256x32xi32, #tpu.memory_space<vmem>>, vector<1x1x256x32xi32>
    %swap3A_436 = vector.shape_cast %swap3A_435 : vector<1x1x256x32xi32> to vector<256x32xi32>
    %swap3A_437 = vector.shape_cast %squeeze3A : vector<256x32xi32> to vector<1x1x256x32xi32>
    tpu.vector_store %arg4[%swap3A, %swap3A_432, %swap3A_433, %swap3A_434], %swap3A_437 {strides = array<i32>} : memref<1x1x256x32xi32, #tpu.memory_space<vmem>>, vector<1x1x256x32xi32>,
    return
  }
  func.func @transform_0(%arg0: i32, %arg1: i32) -> (i32, i32, i32) {
    %c0_i32 = arith.constant 0 : i32
    %c0_i32_0 = arith.constant 0 : i32
    %c0_i32_1 = arith.constant 0 : i32
    return %arg0, %c0_i32, %c0_i32_0 : i32, i32, i32
  }
  func.func @transform_1(%arg0: i32, %arg1: i32) -> (i32, i32, i32) {
    %c0_i32 = arith.constant 0 : i32
    %c0_i32_0 = arith.constant 0 : i32
    return %arg0, %arg1, %c0_i32 : i32, i32, i32
  }
  func.func @transform_2(%arg0: i32, %arg1: i32) -> (i32, i32, i32, i32) {
    %c0_i32 = arith.constant 0 : i32
    %c0_i32_0 = arith.constant 0 : i32
    %c0_i32_1 = arith.constant 0 : i32
    return %arg0, %arg1, %c0_i32, %c0_i32_0 : i32, i32, i32, i32
  }
}

module attributes {stable_mosaic.version = 14 : i64} {
  func.func @_feat_body(%arg0: i32, %arg1: memref<1x4096x3xf32, #tpu.memory_space<vmem>>, %arg2: memref<1x4096x64xf32, #tpu.memory_space<vmem>>, %arg3: memref<1x512x3xf32, #tpu.memory_space<vmem>>, %arg4: memref<3x128xf32, #tpu.memory_space<vmem>>, %arg5: memref<64x128xf32, #tpu.memory_space<vmem>>, %arg6: memref<1x4096x128xf32, #tpu.memory_space<vmem>>, %arg7: memref<1x512x128xf32, #tpu.memory_space<vmem>>) attributes {dimension_semantics = [#tpu.dimension_semantics<arbitrary>], iteration_bounds = array<i64: 8>, scalar_prefetch = 0 : i64, scratch_operands = 0 : i64, tpu.core_type = #tpu.core_type<tc>, window_params = [{transform_indices = @transform_0, window_bounds = array<i64: 1, 4096, 3>}, {transform_indices = @transform_1, window_bounds = array<i64: 1, 4096, 64>}, {transform_indices = @transform_2, window_bounds = array<i64: 1, 512, 3>}, {pipeline_mode = #tpu.pipeline_mode<synchronous>, transform_indices = @transform_3, window_bounds = array<i64: 3, 128>}, {pipeline_mode = #tpu.pipeline_mode<synchronous>, transform_indices = @transform_4, window_bounds = array<i64: 64, 128>}, {transform_indices = @transform_5, window_bounds = array<i64: 1, 4096, 128>}, {transform_indices = @transform_6, window_bounds = array<i64: 1, 512, 128>}]} {
    %get3A = arith.constant 0 : index
    %get3A_0 = arith.constant 0 : index
    %get3A_1 = vector.load %arg4[%get3A, %get3A_0] : memref<3x128xf32, #tpu.memory_space<vmem>>, vector<3x128xf32>
    %get3A_2 = arith.constant 0 : index
    %get3A_3 = arith.constant 0 : index
    %get3A_4 = arith.constant 0 : index
    %get3A_5 = vector.load %arg1[%get3A_2, %get3A_3, %get3A_4] : memref<1x4096x3xf32, #tpu.memory_space<vmem>>, vector<1x4096x3xf32>
    %get3A_6 = vector.shape_cast %get3A_5 : vector<1x4096x3xf32> to vector<4096x3xf32>
    %dot_general3A = arith.constant dense<0.000000e+00> : vector<4096x128xf32>
    %dot_general3A_7 = tpu.matmul %get3A_6, %get3A_1, %dot_general3A {dimension_numbers = #tpu.dot_dimension_numbers<[1], [0], [0], [1], [0, 0, 1, 1], [], []>, transpose_lhs_hint = false} : vector<4096x3xf32>, vector<3x128xf32>, vector<4096x128xf32> -> vector<4096x128xf32>
    %get3A_8 = arith.constant 0 : index
    %get3A_9 = arith.constant 0 : index
    %get3A_10 = arith.constant 0 : index
    %get3A_11 = vector.load %arg2[%get3A_8, %get3A_9, %get3A_10] : memref<1x4096x64xf32, #tpu.memory_space<vmem>>, vector<1x4096x64xf32>
    %get3A_12 = vector.shape_cast %get3A_11 : vector<1x4096x64xf32> to vector<4096x64xf32>
    %get3A_13 = arith.constant 0 : index
    %get3A_14 = arith.constant 0 : index
    %get3A_15 = vector.load %arg5[%get3A_13, %get3A_14] : memref<64x128xf32, #tpu.memory_space<vmem>>, vector<64x128xf32>
    %dot_general3A_16 = arith.constant dense<0.000000e+00> : vector<4096x128xf32>
    %dot_general3A_17 = tpu.matmul %get3A_12, %get3A_15, %dot_general3A_16 {dimension_numbers = #tpu.dot_dimension_numbers<[1], [0], [0], [1], [0, 0, 1, 1], [], []>, transpose_lhs_hint = false} : vector<4096x64xf32>, vector<64x128xf32>, vector<4096x128xf32> -> vector<4096x128xf32>
    %add3A = arith.addf %dot_general3A_7, %dot_general3A_17 : vector<4096x128xf32>
    %swap3A = arith.constant 0 : index
    %swap3A_18 = arith.constant 0 : index
    %swap3A_19 = arith.constant 0 : index
    %swap3A_20 = vector.load %arg6[%swap3A, %swap3A_18, %swap3A_19] : memref<1x4096x128xf32, #tpu.memory_space<vmem>>, vector<1x4096x128xf32>
    %swap3A_21 = vector.shape_cast %swap3A_20 : vector<1x4096x128xf32> to vector<4096x128xf32>
    %swap3A_22 = vector.shape_cast %add3A : vector<4096x128xf32> to vector<1x4096x128xf32>
    tpu.vector_store %arg6[%swap3A, %swap3A_18, %swap3A_19], %swap3A_22 {strides = array<i32>} : memref<1x4096x128xf32, #tpu.memory_space<vmem>>, vector<1x4096x128xf32>,
    %get3A_23 = arith.constant 0 : index
    %get3A_24 = arith.constant 0 : index
    %get3A_25 = arith.constant 0 : index
    %get3A_26 = vector.load %arg3[%get3A_23, %get3A_24, %get3A_25] : memref<1x512x3xf32, #tpu.memory_space<vmem>>, vector<1x512x3xf32>
    %get3A_27 = vector.shape_cast %get3A_26 : vector<1x512x3xf32> to vector<512x3xf32>
    %dot_general3A_28 = arith.constant dense<0.000000e+00> : vector<512x128xf32>
    %dot_general3A_29 = tpu.matmul %get3A_27, %get3A_1, %dot_general3A_28 {dimension_numbers = #tpu.dot_dimension_numbers<[1], [0], [0], [1], [0, 0, 1, 1], [], []>, transpose_lhs_hint = false} : vector<512x3xf32>, vector<3x128xf32>, vector<512x128xf32> -> vector<512x128xf32>
    %swap3A_30 = arith.constant 0 : index
    %swap3A_31 = arith.constant 0 : index
    %swap3A_32 = arith.constant 0 : index
    %swap3A_33 = vector.load %arg7[%swap3A_30, %swap3A_31, %swap3A_32] : memref<1x512x128xf32, #tpu.memory_space<vmem>>, vector<1x512x128xf32>
    %swap3A_34 = vector.shape_cast %swap3A_33 : vector<1x512x128xf32> to vector<512x128xf32>
    %swap3A_35 = vector.shape_cast %dot_general3A_29 : vector<512x128xf32> to vector<1x512x128xf32>
    tpu.vector_store %arg7[%swap3A_30, %swap3A_31, %swap3A_32], %swap3A_35 {strides = array<i32>} : memref<1x512x128xf32, #tpu.memory_space<vmem>>, vector<1x512x128xf32>,
    return
  }
  func.func @transform_0(%arg0: i32) -> (i32, i32, i32) {
    %c0_i32 = arith.constant 0 : i32
    %c0_i32_0 = arith.constant 0 : i32
    %c0_i32_1 = arith.constant 0 : i32
    return %arg0, %c0_i32, %c0_i32_0 : i32, i32, i32
  }
  func.func @transform_1(%arg0: i32) -> (i32, i32, i32) {
    %c0_i32 = arith.constant 0 : i32
    %c0_i32_0 = arith.constant 0 : i32
    %c0_i32_1 = arith.constant 0 : i32
    return %arg0, %c0_i32, %c0_i32_0 : i32, i32, i32
  }
  func.func @transform_2(%arg0: i32) -> (i32, i32, i32) {
    %c0_i32 = arith.constant 0 : i32
    %c0_i32_0 = arith.constant 0 : i32
    %c0_i32_1 = arith.constant 0 : i32
    return %arg0, %c0_i32, %c0_i32_0 : i32, i32, i32
  }
  func.func @transform_3(%arg0: i32) -> (i32, i32) {
    %c0_i32 = arith.constant 0 : i32
    %c0_i32_0 = arith.constant 0 : i32
    %c0_i32_1 = arith.constant 0 : i32
    return %c0_i32, %c0_i32_0 : i32, i32
  }
  func.func @transform_4(%arg0: i32) -> (i32, i32) {
    %c0_i32 = arith.constant 0 : i32
    %c0_i32_0 = arith.constant 0 : i32
    %c0_i32_1 = arith.constant 0 : i32
    return %c0_i32, %c0_i32_0 : i32, i32
  }
  func.func @transform_5(%arg0: i32) -> (i32, i32, i32) {
    %c0_i32 = arith.constant 0 : i32
    %c0_i32_0 = arith.constant 0 : i32
    %c0_i32_1 = arith.constant 0 : i32
    return %arg0, %c0_i32, %c0_i32_0 : i32, i32, i32
  }
  func.func @transform_6(%arg0: i32) -> (i32, i32, i32) {
    %c0_i32 = arith.constant 0 : i32
    %c0_i32_0 = arith.constant 0 : i32
    %c0_i32_1 = arith.constant 0 : i32
    return %arg0, %c0_i32, %c0_i32_0 : i32, i32, i32
  }
}

module attributes {stable_mosaic.version = 14 : i64} {
  func.func @_mlp_body(%arg0: i32, %arg1: i32, %arg2: memref<8192x128xf32, #tpu.memory_space<vmem>>, %arg3: memref<1x256x128xf32, #tpu.memory_space<vmem>>, %arg4: memref<1x128xf32, #tpu.memory_space<vmem>>, %arg5: memref<128x64xf32, #tpu.memory_space<vmem>>, %arg6: memref<1x64xf32, #tpu.memory_space<vmem>>, %arg7: memref<64x128xf32, #tpu.memory_space<vmem>>, %arg8: memref<1x128xf32, #tpu.memory_space<vmem>>, %arg9: memref<1x256x128xf32, #tpu.memory_space<vmem>>) attributes {dimension_semantics = [#tpu.dimension_semantics<arbitrary>, #tpu.dimension_semantics<arbitrary>], iteration_bounds = array<i64: 8, 2>, scalar_prefetch = 0 : i64, scratch_operands = 0 : i64, tpu.core_type = #tpu.core_type<tc>, window_params = [{transform_indices = @transform_0, window_bounds = array<i64: 8192, 128>}, {transform_indices = @transform_1, window_bounds = array<i64: 1, 256, 128>}, {pipeline_mode = #tpu.pipeline_mode<synchronous>, transform_indices = @transform_2, window_bounds = array<i64: 1, 128>}, {pipeline_mode = #tpu.pipeline_mode<synchronous>, transform_indices = @transform_3, window_bounds = array<i64: 128, 64>}, {pipeline_mode = #tpu.pipeline_mode<synchronous>, transform_indices = @transform_4, window_bounds = array<i64: 1, 64>}, {pipeline_mode = #tpu.pipeline_mode<synchronous>, transform_indices = @transform_5, window_bounds = array<i64: 64, 128>}, {pipeline_mode = #tpu.pipeline_mode<synchronous>, transform_indices = @transform_6, window_bounds = array<i64: 1, 128>}, {transform_indices = @transform_7, window_bounds = array<i64: 1, 256, 128>}]} {
    %get3A = arith.constant 0 : index
    %get3A_0 = arith.constant 0 : index
    %get3A_1 = vector.load %arg4[%get3A, %get3A_0] : memref<1x128xf32, #tpu.memory_space<vmem>>, vector<1x128xf32>
    %get3A_2 = arith.constant 0 : index
    %get3A_3 = arith.constant 0 : index
    %get3A_4 = arith.constant 0 : index
    %get3A_5 = vector.load %arg3[%get3A_2, %get3A_3, %get3A_4] : memref<1x256x128xf32, #tpu.memory_space<vmem>>, vector<1x256x128xf32>
    %get3A_6 = vector.shape_cast %get3A_5 : vector<1x256x128xf32> to vector<256x128xf32>
    %sub3A = vector.broadcast %get3A_1 : vector<1x128xf32> to vector<256x128xf32>
    %sub3A_7 = arith.subf %sub3A, %get3A_6 : vector<256x128xf32>
    %get3A_8 = arith.constant 0 : index
    %get3A_9 = arith.constant 0 : index
    %get3A_10 = vector.load %arg2[%get3A_8, %get3A_9] : memref<8192x128xf32, #tpu.memory_space<vmem>>, vector<8192x128xf32>
    %reshape3A = vector.shape_cast %get3A_10 : vector<8192x128xf32> to vector<256x32x128xf32>
    %broadcast_in_dim3A = vector.shape_cast %sub3A_7 : vector<256x128xf32> to vector<256x1x128xf32>
    %add3A = vector.broadcast %broadcast_in_dim3A : vector<256x1x128xf32> to vector<256x32x128xf32>
    %add3A_11 = arith.addf %reshape3A, %add3A : vector<256x32x128xf32>
    %max3A = arith.constant 0.000000e+00 : f32
    %max3A_12 = vector.broadcast %max3A : f32 to vector<256x32x128xf32>
    %max3A_13 = arith.maximumf %add3A_11, %max3A_12 : vector<256x32x128xf32>
    %reshape3A_14 = vector.shape_cast %max3A_13 : vector<256x32x128xf32> to vector<8192x128xf32>
    %get3A_15 = arith.constant 0 : index
    %get3A_16 = arith.constant 0 : index
    %get3A_17 = vector.load %arg5[%get3A_15, %get3A_16] : memref<128x64xf32, #tpu.memory_space<vmem>>, vector<128x64xf32>
    %dot_general3A = arith.constant dense<0.000000e+00> : vector<8192x64xf32>
    %dot_general3A_18 = tpu.matmul %reshape3A_14, %get3A_17, %dot_general3A {dimension_numbers = #tpu.dot_dimension_numbers<[1], [0], [0], [1], [0, 0, 1, 1], [], []>, transpose_lhs_hint = false} : vector<8192x128xf32>, vector<128x64xf32>, vector<8192x64xf32> -> vector<8192x64xf32>
    %get3A_19 = arith.constant 0 : index
    %get3A_20 = arith.constant 0 : index
    %get3A_21 = vector.load %arg6[%get3A_19, %get3A_20] : memref<1x64xf32, #tpu.memory_space<vmem>>, vector<1x64xf32>
    %add3A_22 = vector.broadcast %get3A_21 : vector<1x64xf32> to vector<8192x64xf32>
    %add3A_23 = arith.addf %dot_general3A_18, %add3A_22 : vector<8192x64xf32>
    %max3A_24 = arith.constant 0.000000e+00 : f32
    %max3A_25 = vector.broadcast %max3A_24 : f32 to vector<8192x64xf32>
    %max3A_26 = arith.maximumf %add3A_23, %max3A_25 : vector<8192x64xf32>
    %get3A_27 = arith.constant 0 : index
    %get3A_28 = arith.constant 0 : index
    %get3A_29 = vector.load %arg7[%get3A_27, %get3A_28] : memref<64x128xf32, #tpu.memory_space<vmem>>, vector<64x128xf32>
    %dot_general3A_30 = arith.constant dense<0.000000e+00> : vector<8192x128xf32>
    %dot_general3A_31 = tpu.matmul %max3A_26, %get3A_29, %dot_general3A_30 {dimension_numbers = #tpu.dot_dimension_numbers<[1], [0], [0], [1], [0, 0, 1, 1], [], []>, transpose_lhs_hint = false} : vector<8192x64xf32>, vector<64x128xf32>, vector<8192x128xf32> -> vector<8192x128xf32>
    %get3A_32 = arith.constant 0 : index
    %get3A_33 = arith.constant 0 : index
    %get3A_34 = vector.load %arg8[%get3A_32, %get3A_33] : memref<1x128xf32, #tpu.memory_space<vmem>>, vector<1x128xf32>
    %add3A_35 = vector.broadcast %get3A_34 : vector<1x128xf32> to vector<8192x128xf32>
    %add3A_36 = arith.addf %dot_general3A_31, %add3A_35 : vector<8192x128xf32>
    %max3A_37 = arith.constant 0.000000e+00 : f32
    %max3A_38 = vector.broadcast %max3A_37 : f32 to vector<8192x128xf32>
    %max3A_39 = arith.maximumf %add3A_36, %max3A_38 : vector<8192x128xf32>
    %reshape3A_40 = vector.shape_cast %max3A_39 : vector<8192x128xf32> to vector<256x32x128xf32>
    %reduce_max3A = arith.constant dense<0xFF800000> : vector<256x128xf32>
    %reduce_max3A_41 = vector.multi_reduction <maximumf>, %reshape3A_40, %reduce_max3A [1] : vector<256x32x128xf32> to vector<256x128xf32>
    %swap3A = arith.constant 0 : index
    %swap3A_42 = arith.constant 0 : index
    %swap3A_43 = arith.constant 0 : index
    %swap3A_44 = vector.load %arg9[%swap3A, %swap3A_42, %swap3A_43] : memref<1x256x128xf32, #tpu.memory_space<vmem>>, vector<1x256x128xf32>
    %swap3A_45 = vector.shape_cast %swap3A_44 : vector<1x256x128xf32> to vector<256x128xf32>
    %swap3A_46 = vector.shape_cast %reduce_max3A_41 : vector<256x128xf32> to vector<1x256x128xf32>
    tpu.vector_store %arg9[%swap3A, %swap3A_42, %swap3A_43], %swap3A_46 {strides = array<i32>} : memref<1x256x128xf32, #tpu.memory_space<vmem>>, vector<1x256x128xf32>,
    return
  }
  func.func @transform_0(%arg0: i32, %arg1: i32) -> (i32, i32) {
    %mul3A = arith.constant 2 : i32
    %mul3A_0 = arith.muli %arg0, %mul3A : i32
    %add3A = arith.addi %mul3A_0, %arg1 : i32
    %c0_i32 = arith.constant 0 : i32
    %c0_i32_1 = arith.constant 0 : i32
    return %add3A, %c0_i32 : i32, i32
  }
  func.func @transform_1(%arg0: i32, %arg1: i32) -> (i32, i32, i32) {
    %c0_i32 = arith.constant 0 : i32
    %c0_i32_0 = arith.constant 0 : i32
    return %arg0, %arg1, %c0_i32 : i32, i32, i32
  }
  func.func @transform_2(%arg0: i32, %arg1: i32) -> (i32, i32) {
    %c0_i32 = arith.constant 0 : i32
    %c0_i32_0 = arith.constant 0 : i32
    %c0_i32_1 = arith.constant 0 : i32
    return %c0_i32, %c0_i32_0 : i32, i32
  }
  func.func @transform_3(%arg0: i32, %arg1: i32) -> (i32, i32) {
    %c0_i32 = arith.constant 0 : i32
    %c0_i32_0 = arith.constant 0 : i32
    %c0_i32_1 = arith.constant 0 : i32
    return %c0_i32, %c0_i32_0 : i32, i32
  }
  func.func @transform_4(%arg0: i32, %arg1: i32) -> (i32, i32) {
    %c0_i32 = arith.constant 0 : i32
    %c0_i32_0 = arith.constant 0 : i32
    %c0_i32_1 = arith.constant 0 : i32
    return %c0_i32, %c0_i32_0 : i32, i32
  }
  func.func @transform_5(%arg0: i32, %arg1: i32) -> (i32, i32) {
    %c0_i32 = arith.constant 0 : i32
    %c0_i32_0 = arith.constant 0 : i32
    %c0_i32_1 = arith.constant 0 : i32
    return %c0_i32, %c0_i32_0 : i32, i32
  }
  func.func @transform_6(%arg0: i32, %arg1: i32) -> (i32, i32) {
    %c0_i32 = arith.constant 0 : i32
    %c0_i32_0 = arith.constant 0 : i32
    %c0_i32_1 = arith.constant 0 : i32
    return %c0_i32, %c0_i32_0 : i32, i32
  }
  func.func @transform_7(%arg0: i32, %arg1: i32) -> (i32, i32, i32) {
    %c0_i32 = arith.constant 0 : i32
    %c0_i32_0 = arith.constant 0 : i32
    return %arg0, %arg1, %c0_i32 : i32, i32, i32
  }
}

</mosaic_0001>

<sc_bundles>
// kernel: kernel.7.cloned.1.call-start
scs
__scs_entry_jumppad:
0x0: {  	(pc) =	sbr.rel $0x88, $3  }
0x1: {  	(tag) =	ssettag $0x0;
	lr =	simm.s32 $0x1  }
0x2: {  	[smem:$0x3F99] =	sst lr;
	_ =	strace $0xD0000000  }
0x3: {  	_ = 	snop  }
0x4: {  	_ = 	snop  }
0x5: {  	_ = 	snop  }
0x6: {  	_ = 	snop  }
0x7: {  	_ = 	snop  }
__scs_overlays_trampoline_lowered:
0x8: {  	[smem:$0x3FA8] =	sst s0  }
0x9: {  	[smem:$0x3FA9] =	sst s1  }
0xa: {  	[smem:$0x3FAA] =	sst s2  }
0xb: {  	[smem:$0x3FAB] =	sst s3  }
0xc: {  	[smem:$0x3FAC] =	sst s4  }
0xd: {  	[smem:$0x3FAD] =	sst s5  }
0xe: {  	[smem:$0x3FAE] =	sst s6  }
0xf: {  	[smem:$0x3FAF] =	sst s7  }
0x10: {  	[smem:$0x3FB0] =	sst s8  }
0x11: {  	[smem:$0x3FB1] =	sst s9;
	s0 =	simm.s32 @!p0 $0x0  }
0x12: {  	s1 =	sld [smem:$0x3F97];
	s0 =	simm.s32 @p0 $0x1  }
0x13: {  	[smem:$0x3FB2] =	sst s0;
	s0 =	simm.s32 @!p1 $0x0  }
0x14: {  	s2 =	sld [smem:$0x3F96];
	s0 =	simm.s32 @p1 $0x1  }
0x15: {  	[smem:$0x3FB3] =	sst s0;
	s0 =	simm.s32 @!p2 $0x0  }
0x16: {  	s3 =	sld [smem:$0x3FDB];
	s0 =	simm.s32 @p2 $0x1  }
0x17: {  	s4 =	simm.s32 $0x1BF5;
	[smem:$0x3FB5] =	sst s0  }
0x18: {  	s0 =	sld [smem:$0x3F98];
	_ =	swait.ge [sflag:s4], $0x0  }
0x19: {  	s7 =	sld [smem:$0x3F99]  }
0x1a: {  	s8 =	sadd.s32 $0xFFFFE003, lr  }
0x1b: {  	s9 =	sadd.s32 $0xFFFFFEF7, lr;
	s5 =	simm.s32 $0xFFFFFFFF;
	p2 =	slt.u32 s8, $0xFFFFF086  }
0x1c: {  	p1 =	slt.u32 s9, $0xF7A;
	s5 =	simm.s32 @!p2 $0x0  }
0x1d: {  	s5 =	simm.s32 @p1 $0x1;
	p0 =	seq.s32 s7, s2  }
0x1e: {  	s7 =	smul.u32 @!p0 $0xF7A, s2;
	p2 =	seq.s32 @!p0 s5, $0x0  }
0x1f: {  	s9 =	smul.u32 $0xF7A, s1;
	s8 =	simm.s32 @!p0 $0x1BF5;
	p2 =	por !p2, p0  }
0x20: {  	[sflag:s8] =	ssyncset.s32 @!p0 $0xFFFFF086;
	s6 =	sadd.s32 @!p0 s3, s7;
	s7 =	simm.s32 @!p0 $0x108  }
0x21: {  	s3 =	sadd.s32 s3, s9;
	s6 =	sadd.s32 @!p0 $0x88, s6;
	s7 =	simm.s32 @p2 $0x1082  }
0x22: {  	[simem:s7], [sflag:s8] =	dma.local @!p0 [hbm:s6], $0xF7A  }
0x23: {  	s9 =	sor.u32 $0xD0000000, s2;
	s6 =	simm.s32 $0x108;
	_ =	swait.ge @!p0 [sflag:s8], $0x0  }
0x24: {  	s3 =	sadd.s32 $0x88, s3;
	s6 =	simm.s32 @!p1 $0x1082;
	[sflag:s4] =	ssyncset.s32 $0xFFFFF086  }
0x25: {  	[simem:s6], [sflag:s4] =	dma.local [hbm:s3], $0xF7A  }
0x26: {  	[smem:$0x3F99] =	sst s1;
	(tag) =	ssettag s2;
	_ =	strace s9  }
0x27: {  	s1 =	sld [smem:$0x3FA9]  }
0x28: {  	s2 =	sld [smem:$0x3FAA]  }
0x29: {  	s4 =	sld [smem:$0x3FAC]  }
0x2a: {  	p0 =	seq.s32 s5, $0x0;
	s5 =	sld [smem:$0x3FAD]  }
0x2b: {  	s6 =	sld [smem:$0x3FAE]  }
0x2c: {  	s7 =	sld [smem:$0x3FAF]  }
0x2d: {  	s3 =	simm.s32 $0x108;
	s8 =	sld [smem:$0x3FB0]  }
0x2e: {  	s3 =	simm.s32 @!p0 $0x1082;
	s9 =	sld [smem:$0x3FB1]  }
0x2f: {  	lr =	sadd.s32 s0, s3;
	s0 =	sld [smem:$0x3FA8]  }
0x30: {  	s3 =	sld [smem:$0x3FAB]  }
0x31: {  	[smem:$0x3FB4] =	sst s10  }
0x32: {  	s10 =	sld [smem:$0x3FB2];
	_ =	sdelay $0x3  }
0x33: {  	p0 =	seq.s32 s10, $0x1;
	s10 =	sld [smem:$0x3FB4];
	_ =	sdelay $0x3  }
0x34: {  	[smem:$0x3FB4] =	sst s10  }
0x35: {  	s10 =	sld [smem:$0x3FB3];
	_ =	sdelay $0x3  }
0x36: {  	p1 =	seq.s32 s10, $0x1;
	s10 =	sld [smem:$0x3FB4];
	_ =	sdelay $0x3  }
0x37: {  	[smem:$0x3FB4] =	sst s10  }
0x38: {  	s10 =	sld [smem:$0x3FB5]  }
0x39: {  	_ = 	snop;
	(pc) =	sbr.ind lr, $3  }
0x3a: {  	_ = 	snop  }
0x3b: {  	_ = 	snop  }
0x3c: {  	p2 =	seq.s32 s10, $0x1;
	s10 =	sld [smem:$0x3FB4]  }
0x3d: {  	_ =	shalt  }
0x3e: {  	_ =	shalt  }
0x3f: {  	_ =	shalt  }
0x40: {  	_ =	shalt  }
0x41: {  	_ =	shalt  }
0x42: {  	_ =	shalt  }
0x43: {  	_ =	shalt  }
0x44: {  	_ =	shalt  }
0x45: {  	_ =	shalt  }
0x46: {  	_ =	shalt  }
0x47: {  	_ =	shalt  }
0x48: {  	_ =	shalt  }
0x49: {  	_ =	shalt  }
0x4a: {  	_ =	shalt  }
0x4b: {  	_ =	shalt  }
0x4c: {  	_ =	shalt  }
0x4d: {  	_ =	shalt  }
0x4e: {  	_ =	shalt  }
0x4f: {  	_ =	shalt  }
0x50: {  	_ =	shalt  }
0x51: {  	_ =	shalt  }
0x52: {  	_ =	shalt  }
0x53: {  	_ =	shalt  }
0x54: {  	_ =	shalt  }
0x55: {  	_ =	shalt  }
0x56: {  	_ =	shalt  }
0x57: {  	_ =	shalt  }
0x58: {  	_ =	shalt  }
0x59: {  	_ =	shalt  }
0x5a: {  	_ =	shalt  }
0x5b: {  	_ =	shalt  }
0x5c: {  	_ =	shalt  }
0x5d: {  	_ =	shalt  }
0x5e: {  	_ =	shalt  }
0x5f: {  	_ =	shalt  }
0x60: {  	_ =	shalt  }
0x61: {  	_ =	shalt  }
0x62: {  	_ =	shalt  }
0x63: {  	_ =	shalt  }
0x64: {  	_ =	shalt  }
0x65: {  	_ =	shalt  }
0x66: {  	_ =	shalt  }
0x67: {  	_ =	shalt  }
0x68: {  	_ =	shalt  }
0x69: {  	_ =	shalt  }
0x6a: {  	_ =	shalt  }
0x6b: {  	_ =	shalt  }
0x6c: {  	_ =	shalt  }
0x6d: {  	_ =	shalt  }
0x6e: {  	_ =	shalt  }
0x6f: {  	_ =	shalt  }
0x70: {  	_ =	shalt  }
0x71: {  	_ =	shalt  }
0x72: {  	_ =	shalt  }
0x73: {  	_ =	shalt  }
0x74: {  	_ =	shalt  }
0x75: {  	_ =	shalt  }
0x76: {  	_ =	shalt  }
0x77: {  	_ =	shalt  }
0x78: {  	_ =	shalt  }
0x79: {  	_ =	shalt  }
0x7a: {  	_ =	shalt  }
0x7b: {  	_ =	shalt  }
0x7c: {  	_ =	shalt  }
0x7d: {  	_ =	shalt  }
0x7e: {  	_ =	shalt  }
0x7f: {  	_ =	shalt  }
0x80: {  	_ =	shalt  }
0x81: {  	_ =	shalt  }
0x82: {  	_ =	shalt  }
0x83: {  	_ =	shalt  }
0x84: {  	_ =	shalt  }
0x85: {  	_ =	shalt  }
0x86: {  	_ =	shalt  }
0x87: {  	_ =	shalt  }
.Lfunc_end0:
.L_simem_size_0:
called_computation_lowered:
.L_overlay_start_0:
0x88: {  	s2 =	sld [smem:$0x3FD9]  }
0x89: {  	s3 =	sld [smem:$0x3FFE];
	_ =	sdelay $0x1  }
0x8a: {  	s1 =	srdreg.scid  }
0x8b: {  	s0 =	sand.u32 $0x1, s1  }
0x8c: {  	s14 =	sshll.u32 s0, $0xA;
	s2 =	sadd.s32 s3, s2  }
0x8d: {  	s2 =	sadd.s32 s2, s14  }
0x8e: {  	[smem:$0x3FC0] =	sst s2  }
0x8f: {  	_ = 	snop  }
0x90: {  	s2 =	sld [smem:$0x3FD0];
	_ =	sdelay $0x2  }
0x91: {  	s15 =	simm.s32 $0xA;
	s4 =	simm.s32 $0x10  }
0x92: {  	[smem:s4], [sflag:s15] =	dma.local [hbm:s2], $0x1  }
0x93: {  	_ =	swait.eq [sflag:s15], $0x1  }
0x94: {  	[sflag:s15] =	ssyncset.done $0x0  }
0x95: {  	[sflag:s15] =	ssyncadd.s32 $0xFFFFFFFF  }
0x96: {  	s16 =	sld [smem:$0x11];
	(tm) =	ssettm $0x1  }
0x97: {  	s17 =	sld [smem:$0x3FFB];
	_ =	sdelay $0x3  }
0x98: {  	_ =	strace s17  }
0x99: {  	s3 =	sld [smem:$0x3FFC];
	_ =	sdelay $0x3  }
0x9a: {  	_ =	strace s3  }
0x9b: {  	s3 =	sld [smem:$0x3FFD];
	_ =	sdelay $0x3  }
0x9c: {  	_ =	strace s3  }
0x9d: {  	_ =	strace $0x8FFFFFFF  }
0x9e: {  	s18 =	sld [smem:$0x3FDB];
	_ =	sdelay $0x1  }
0x9f: {  	s19 =	simm.s32 $_scs_section_size  }
0xa0: {  	s5 =	simm.s32 $_size__tile_overlayer_lowered;
	s6 =	simm.s32 $_tile_overlayer_lowered  }
0xa1: {  	s22 =	simm.s32 $0x1BFF;
	s21 =	sshll.u32 s6, $0x1;
	s3 =	sadd.s32 s19, s18  }
0xa2: {  	s7 =	simm.s32 $0x0;
	s20 =	sshll.u32 s5, $0x1;
	s5 =	sadd.s32 s21, s3  }
0xa3: {  	[timem:s7], [sflag:s22] =	dma.local [hbm:s5], s20  }
0xa4: {  	_ =	swait.ge [sflag:s22], s20  }
0xa5: {  	s4 =	ssub.s32 $0x0, s20;
	[sflag:s22] =	ssyncset.done $0x0  }
0xa6: {  	[sflag:s22] =	ssyncadd.s32 s4;
	_ =	sdelay $0x1  }
0xa7: {  	s23 =	simm.s32 $0x1B8B  }
0xa8: {  	_ =	swait.ge [sflag:s23], $0x1  }
0xa9: {  	[sflag:s23] =	ssyncset.done $0x0  }
0xaa: {  	s25 =	simm.s32 $0x1B8E;
	s24 =	sld [smem:$0x3FFE];
	[sflag:s23] =	ssyncadd.s32 $0xFFFFFFFF  }
0xab: {  	s26 =	simm.s32 $execute0_lowered;
	[smem:$0x3FD2] =	sst s25  }
0xac: {  	s5 =	sshll.u32 s26, $0x1;
	_ =	strace $0x80000046;
	[dreg:$0x1] =	wrdreg $0xFFFFFFFF  }
0xad: {  	s28 =	simm.s32 $_size_execute0_lowered;
	s3 =	sadd.s32 s3, s5;
	[dreg:$0x0] =	wrdreg $0x0  }
0xae: {  	s5 =	sshll.u32 s28, $0x1;
	[dreg:$0x2] =	wrdreg s3  }
0xaf: {  	[dreg:$0x3] =	wrdreg s5  }
0xb0: {  	[dreg:$0x4] =	wrdreg $0xC0  }
0xb1: {  	_ =	task [dreg:s7], $0x5FFFF  }
0xb2: {  	[dreg:$0x1] =	wrdreg $0xFFFFFFFF  }
0xb3: {  	[dreg:$0x0] =	wrdreg $0x60  }
0xb4: {  	[dreg:$0x2] =	wrdreg s24  }
0xb5: {  	[dreg:$0x3] =	wrdreg s16  }
0xb6: {  	[dreg:$0x4] =	wrdreg $0x9  }
0xb7: {  	_ =	task.clear_ibuf [dreg:s7], $0x5FFFF;
	_ =	strace $0x90000046  }
0xb8: {  	s29 =	simm.s32 $0x9;
	_ =	strace $0x80000048  }
0xb9: {  	_ =	swait.ge [sflag:s29], $0x1  }
0xba: {  	[sflag:s29] =	ssyncadd.s32 $0xFFFFFFFF  }
0xbb: {  	_ =	strace $0x90000048  }
0xbc: {  	_ =	sfence  }
0xbd: {  	s30 =	sld [smem:$0x0];
	_ =	sdelay $0x2  }
0xbe: {  	s31 =	sshll.u32 s1, $0xD;
	s1 =	sshrl.u32 s1, $0x2  }
0xbf: {  	s3 =	sand.u32 $0x4000, s31;
	s1 =	sadd.s32 s1, s30  }
0xc0: {  	s0 =	sor.u32 s3, s0;
	s1 =	sshll.u32 s1, $0x11  }
0xc1: {  	s0 =	sor.u32 s1, s0  }
0xc2: {  	s0 =	sadd.s32 $0x8F2B, s0  }
0xc3: {  	[sflag:s0] =	ssyncadd.remote.s32 $0x1  }
0xc4: {  	_ =	sfence.sel $0xFFFF  }
0xc5: {  	[dreg:$0x0] =	wrdreg $0xFFFFFFFF;
	(pc) =	sbr.abs _section_cstart, $3  }
0xc6: {  	[dreg:$0x1] =	wrdreg $0xFFFFFFFF  }
0xc7: {  	_ =	task.clear_ibuf [dreg:s7], $0x2FFFF;
	_ =	strace $0x9FFFFFFF  }
0xc8: {  	(tm) =	ssettm $0x7FFFFFFF  }
0xc9: {  	_ =	shalt  }
tec
execute0_lowered:
.L_overlay_start_1:
0x0: {  	(tag) =	ssettag $0x1  }
0x1: {  	s4 =	rddreg [dreg:$0x0]  }
0x2: {  	s6 =	rddreg [dreg:$0x1]  }
0x3: {  	s0 =	rddreg [dreg:$0x2];
	s2 =	simm.s32 $0x0;
	s1 =	stileid.u32  }
0x4: {  	s3 =	srdreg.scid;
	[smem:$0x7FF] =	sst s2  }
0x5: {  	s5 =	sshll.u32 s1, $0x11;
	s7 =	sand.u32 $0x1, s3;
	s3 =	sadd.s32 $0x1C00, s4  }
0x6: {  	s9 =	sshll.u32 s1, $0xD;
	_ =	strace $0x80000047;
	s5 =	sadd.s32 s5, s4  }
0x7: {  	s29 =	ssub.s32 $0x2, s7;
	s10 =	sshll.u32 s7, $0xC;
	s7 =	sshll.u32 s7, $0x10  }
0x8: {  	s8 =	sshrl.u32 s29, $0x1;
	s30 =	sor.u32 s10, s9;
	s5 =	sadd.s32 s7, s5  }
0x9: {  	s7 =	simm.s32 $0x2;
	s9 =	simm.s32 $0x1;
	s10 =	simm.s32 $0x0  }
0xa: {  	s4 =	ssub.s32 s29, s8;
	s31 =	sshrl.u32 s30, $0x3;
	s5 =	sadd.s32 $0x81C00, s5  }
0xb: {  	s8 =	simm.s32 $0x80;
	s4 =	smax.u32 s4, $0x1;
	s6 =	sadd.s32 s31, s6  }
.LBB2_1:
0xc: {  	s11 =	sadd.s32 $0x0, s6  }
0xd: {  	[tilespmem:s2], [sflag:$0x2] =	stream.linear.gather [hbm4b:s11+s2], $0x80, $0x38;
	[tilespmem:$0x4080] =	vst v63  }
0xe: {  	_ =	swait.ge [sflag:s7], $0x80  }
0xf: {  	[sflag:s7] =	ssyncset.done $0x0  }
0x10: {  	[sflag:s7] =	ssyncadd.s32 $0xFFFFFF80  }
0x11: {  	[tilespmem:s8], [sflag:$0x1] =	stream.indirect.gather [hbm4b:s3+s8], $0x80, s2, s8, $0xb8;
	[tilespmem:$0x4080] =	vst v63  }
0x12: {  	_ =	swait.ge [sflag:s9], $0x4000  }
0x13: {  	[sflag:s9] =	ssyncset.done $0x0  }
0x14: {  	[sflag:s9] =	ssyncadd.s32 $0xFFFFC000  }
0x15: {  	[hbm4b:s5+s2] =	stream.linear.scatter [tilespmem:s8], [sflag:$0x2], $0x4000, $0x38;
	[tilespmem:$0x4080] =	vst v63  }
0x16: {  	s12 =	simm.s32 $0x10;
	_ =	swait.ge [sflag:s7], $0x4000  }
0x17: {  	s13 =	simm.s32 $0x20;
	s11 =	sadd.s32 $0x800, s5;
	[sflag:s7] =	ssyncset.done $0x0  }
.LBB2_2:
0x18: {  	s14 =	sadd.s32 s12, s6  }
0x19: {  	[sflag:s7] =	ssyncadd.s32 $0xFFFFC000;
	s12 =	smov.u32 s13;
	s15 =	sadd.s32 $0x10, s13  }
0x1a: {  	[tilespmem:s2], [sflag:$0x2] =	stream.linear.gather [hbm4b:s14+s2], $0x80, $0x38;
	[tilespmem:$0x4080] =	vst v63  }
0x1b: {  	p0 =	sne.s32 s13, $0x1F0;
	_ =	swait.ge [sflag:s7], $0x80  }
0x1c: {  	[sflag:s7] =	ssyncset.done $0x0  }
0x1d: {  	[sflag:s7] =	ssyncadd.s32 $0xFFFFFF80  }
0x1e: {  	[tilespmem:s8], [sflag:$0x1] =	stream.indirect.gather [hbm4b:s3+s8], $0x80, s2, s8, $0xb8;
	[tilespmem:$0x4080] =	vst v63  }
0x1f: {  	_ =	swait.ge [sflag:s9], $0x4000  }
.Ltmp0:
0x20: {  	[sflag:s9] =	ssyncset.done $0x0;
	(pc) =	sbr.rel @p0 .LBB2_2-.Ltmp0, $4  }
0x21: {  	[sflag:s9] =	ssyncadd.s32 $0xFFFFC000  }
0x22: {  	[hbm4b:s11+s2] =	stream.linear.scatter [tilespmem:s8], [sflag:$0x2], $0x4000, $0x38;
	[tilespmem:$0x4080] =	vst v63  }
0x23: {  	_ =	swait.ge [sflag:s7], $0x4000  }
0x24: {  	s13 =	smov.u32 s15;
	s11 =	sadd.s32 $0x800, s11;
	[sflag:s7] =	ssyncset.done $0x0  }
0x25: {  	s12 =	sadd.s32 s12, s6;
	[sflag:s7] =	ssyncadd.s32 $0xFFFFC000  }
0x26: {  	[tilespmem:s2], [sflag:$0x2] =	stream.linear.gather [hbm4b:s12+s2], $0x80, $0x38;
	[tilespmem:$0x4080] =	vst v63  }
0x27: {  	_ =	swait.ge [sflag:s7], $0x80  }
0x28: {  	[sflag:s7] =	ssyncset.done $0x0  }
0x29: {  	[sflag:s7] =	ssyncadd.s32 $0xFFFFFF80  }
0x2a: {  	[tilespmem:s8], [sflag:$0x1] =	stream.indirect.gather [hbm4b:s3+s8], $0x80, s2, s8, $0xb8;
	[tilespmem:$0x4080] =	vst v63  }
0x2b: {  	s10 =	sadd.s32 $0x1, s10;
	_ =	swait.ge [sflag:s9], $0x4000  }
0x2c: {  	p0 =	sne.s32 s10, s4;
	[sflag:s9] =	ssyncset.done $0x0  }
.Ltmp1:
0x2d: {  	[sflag:s9] =	ssyncadd.s32 $0xFFFFC000;
	(pc) =	sbr.rel @p0 .LBB2_1-.Ltmp1, $4  }
0x2e: {  	[hbm4b:s11+s2] =	stream.linear.scatter [tilespmem:s8], [sflag:$0x2], $0x4000, $0x38;
	[tilespmem:$0x4080] =	vst v63  }
0x2f: {  	_ =	swait.ge [sflag:s7], $0x4000  }
0x30: {  	[sflag:s7] =	ssyncset.done $0x0  }
0x31: {  	[sflag:s7] =	ssyncadd.s32 $0xFFFFC000  }
0x32: {  	_ =	sfence.sel $0x180000  }
0x33: {  	[bflag:$0x0] =	sbarrier.arrive $0xFFFF  }
0x34: {  	p0 =	sne.s32 s1, $0x0;
	_ =	strace $0x90000047  }
0x35: {  	s0 =	sadd.s32 @!p0 $0x100000, s0;
	[bflag:$0x2] =	sbarrier.arrive $0xFFFF  }
0x36: {  	[sflag:s0] =	ssyncadd.tile.s32 @!p0 $0x1;
	_ =	shalt  }
.Lfunc_end2:
_tile_overlayer_lowered:
.L_overlay_start_2:
0x37: {  	(tag) =	ssettag $0x2  }
0x38: {  	s0 =	rddreg [dreg:$0x0];
	s2 =	stileid.u32  }
0x39: {  	s1 =	rddreg [dreg:$0x1];
	p0 =	sne.s32 s2, $0x0  }
0x3a: {  	s3 =	rddreg [dreg:$0x2];
	[bflag:$0x3] =	sbarrier.arrive $0xFFFF;
	s2 =	simm.s32 @!p0 $0x1C02  }
0x3b: {  	[timem:s3], [sflag:s2] =	dma.local @!p0 [hbm:s0], s1  }
0x3c: {  	s0 =	simm.s32 @!p0 $0x2  }
0x3d: {  	_ =	swait.ge @!p0 [sflag:s0], s1  }
0x3e: {  	s1 =	ssub.s32 @!p0 $0x0, s1;
	[sflag:s0] =	ssyncset.done @!p0 $0x0  }
0x3f: {  	[sflag:s0] =	ssyncadd.s32 @!p0 s1  }
0x40: {  	[bflag:$0x3] =	sbarrier.arrive $0xFFFF  }
0x41: {  	_ =	shalt  }

</sc_bundles>
